<compile_context>
chip_gen: v7x
topology: tpu7x:2x2x1
jax: 0.10.2.dev20260603
libtpu: 0.0.44.dev20260713+nightly
codegen_flags: <defaults>
</compile_context>

<pallas_src>
import functools

import jax
import jax.numpy as jnp
from jax import lax
from jax.experimental import pallas as pl
from jax.experimental.pallas import tpu as pltpu
from jax.experimental.pallas import tpu_sc as plsc

N_NODES = 10000
IN_DIM = 256
HID_DIM = 512
OUT_DIM = 128
N_EDGES = 160000

NP = 10112
EP = 163840
NCHUNK = EP // 128
STRIPE = NP // 16
HALF = IN_DIM // 2

_MESH = plsc.VectorSubcoreMesh(core_axis_name="c", subcore_axis_name="s")



@functools.partial(
    pl.kernel,
    out_type=jax.ShapeDtypeStruct((2, NP, 128), jnp.float32),
    mesh=_MESH,
    scratch_types=[
        pltpu.VMEM_SHARED((NP, 128), jnp.float32),
        pltpu.VMEM((40, 128), jnp.int32),
        pltpu.VMEM((128, 128), jnp.float32),
        pltpu.SemaphoreType.DMA,
    ],
)
def _sc_histogram(dst2d, zeros128, ones128, hist_out, deg_sh, dstbuf, ones_v, hsem):
    c = lax.axis_index("c")
    s = lax.axis_index("s")
    r0 = s * STRIPE
    pltpu.sync_copy(ones128, ones_v)
    pltpu.sync_copy(zeros128.at[pl.ds(r0, STRIPE)], deg_sh.at[pl.ds(r0, STRIPE)])
    base = c * (NCHUNK // 2) + s * (NCHUNK // 32)
    pltpu.sync_copy(dst2d.at[pl.ds(base, NCHUNK // 32)], dstbuf)
    plsc.subcore_barrier()

    def body(j, carry):
        pltpu.async_copy(ones_v, deg_sh.at[dstbuf.at[j]], hsem, add=True)
        return carry

    lax.fori_loop(0, NCHUNK // 32, body, 0)

    def drain(j, carry):
        pltpu.make_async_copy(ones_v, deg_sh.at[dstbuf.at[0]], hsem).wait()
        return carry

    lax.fori_loop(0, NCHUNK // 32, drain, 0)
    plsc.subcore_barrier()
    pltpu.sync_copy(deg_sh.at[pl.ds(r0, STRIPE)], hist_out.at[c, pl.ds(r0, STRIPE)])



def _tc_norm_body(hist_ref, x_ref, xs_ref, dinv_ref):
    hp = hist_ref[...]
    degsum = jnp.sum(hp[0] + hp[1], axis=1, keepdims=True)
    dinv_full = lax.rsqrt(degsum * (1.0 / 128.0) + 1.0)
    dinv = dinv_full[:N_NODES]
    xv = x_ref[...]
    xs_ref[0] = xv[:, :HALF] * dinv
    xs_ref[1] = xv[:, HALF:] * dinv
    dinv_ref[...] = dinv


def _tc_norm(hist, x):
    return pl.pallas_call(
        _tc_norm_body,
        out_shape=[
            jax.ShapeDtypeStruct((2, N_NODES, HALF), jnp.float32),
            jax.ShapeDtypeStruct((N_NODES, 1), jnp.float32),
        ],
    )(hist, x)



_CPT = NCHUNK // 16


_GCH = 16
_NG = _CPT // _GCH
_NBUF = 2


@functools.partial(
    pl.kernel,
    out_type=jax.ShapeDtypeStruct((2, NP, HALF), jnp.float32),
    mesh=_MESH,
    scratch_types=[
        pltpu.VMEM_SHARED((NP, HALF), jnp.float32),
        pltpu.VMEM((2, _GCH, 128), jnp.int32),
        pltpu.VMEM((2, _GCH, 128), jnp.int32),
        pltpu.VMEM((_NBUF, 128, HALF), jnp.float32),
        pltpu.SemaphoreType.DMA,
        pltpu.SemaphoreType.DMA,
        pltpu.SemaphoreType.DMA,
        pltpu.SemaphoreType.DMA,
        pltpu.SemaphoreType.DMA,
        pltpu.SemaphoreType.DMA,
    ],
)
def _sc_segsum(src_all, dst2d, xs_cat, zeros128, acc_out,
               acc_sh, srcbuf, dstbuf, rows,
               gs0, gs1, ss0, ss1, semis, semid):
    gsem = (gs0, gs1)
    ssem = (ss0, ss1)
    c = lax.axis_index("c")
    s = lax.axis_index("s")
    r0 = s * STRIPE
    cbase = s * _CPT
    pltpu.sync_copy(zeros128.at[pl.ds(r0, STRIPE)], acc_sh.at[pl.ds(r0, STRIPE)])
    pltpu.sync_copy(src_all.at[c, pl.ds(cbase, _GCH)], srcbuf.at[0])
    pltpu.sync_copy(dst2d.at[pl.ds(cbase, _GCH)], dstbuf.at[0])
    plsc.subcore_barrier()

    pltpu.async_copy(xs_cat.at[srcbuf.at[0, 0]], rows.at[0], gsem[0])

    def pair(p, carry):
        for b in range(_NBUF):
            j = 2 * p + b
            g = j // _GCH
            l = j - g * _GCH
            bi = jnp.remainder(g, 2)
            if b == 0:
                @pl.when(jnp.logical_and(l == 2, g < _NG - 1))
                def _():
                    off = cbase + (g + 1) * _GCH
                    nbi = jnp.remainder(g + 1, 2)
                    pltpu.async_copy(
                        src_all.at[c, pl.ds(off, _GCH)], srcbuf.at[nbi], semis)
                    pltpu.async_copy(
                        dst2d.at[pl.ds(off, _GCH)], dstbuf.at[nbi], semid)
            pltpu.make_async_copy(
                xs_cat.at[srcbuf.at[bi, l]], rows.at[b], gsem[b]).wait()
            pltpu.async_copy(
                rows.at[b], acc_sh.at[dstbuf.at[bi, l]], ssem[b], add=True)
            jf = j + 1
            bf = 1 - b
            gf = jf // _GCH
            lf = jf - gf * _GCH
            bif = jnp.remainder(gf, 2)

            @pl.when(jf < _CPT)
            def _():
                @pl.when(jf >= _NBUF)
                def _():
                    pltpu.make_async_copy(
                        rows.at[bf], acc_sh.at[dstbuf.at[0, 0]], ssem[bf]).wait()

                @pl.when(jnp.logical_and(lf == 0, gf >= 1))
                def _():
                    off = cbase + gf * _GCH
                    pltpu.make_async_copy(
                        src_all.at[c, pl.ds(off, _GCH)], srcbuf.at[bif], semis).wait()
                    pltpu.make_async_copy(
                        dst2d.at[pl.ds(off, _GCH)], dstbuf.at[bif], semid).wait()

                pltpu.async_copy(
                    xs_cat.at[srcbuf.at[bif, lf]], rows.at[bf], gsem[bf])

        return carry

    lax.fori_loop(0, _CPT // 2, pair, 0)
    pltpu.make_async_copy(rows.at[0], acc_sh.at[dstbuf.at[0, 0]], ssem[0]).wait()
    pltpu.make_async_copy(rows.at[1], acc_sh.at[dstbuf.at[0, 0]], ssem[1]).wait()
    plsc.subcore_barrier()
    pltpu.sync_copy(acc_sh.at[pl.ds(r0, STRIPE)], acc_out.at[c, pl.ds(r0, STRIPE)])



_RB = 1000


def _tc_head_body(acc_ref, xs_ref, dinv_ref, wc_ref, bc_ref, wl_ref, bl_ref, o_ref):
    acc = acc_ref[...]
    xsp = xs_ref[...]
    dinv = dinv_ref[...]
    agg = jnp.concatenate([acc[0] + xsp[0], acc[1] + xsp[1]], axis=1) * dinv
    h = jnp.dot(agg.astype(jnp.bfloat16), wc_ref[...].astype(jnp.bfloat16),
                preferred_element_type=jnp.float32) + bc_ref[...]
    h = jnp.maximum(h, 0.0)
    o_ref[...] = jnp.dot(h.astype(jnp.bfloat16), wl_ref[...].astype(jnp.bfloat16),
                         preferred_element_type=jnp.float32) + bl_ref[...]


def _tc_head(acc, xs_parts, dinv, W_conv, b_conv, W_lin, b_lin):
    nblk = N_NODES // _RB
    return pl.pallas_call(
        _tc_head_body,
        grid=(nblk,),
        in_specs=[
            pl.BlockSpec((2, _RB, HALF), lambda i: (0, i, 0)),
            pl.BlockSpec((2, _RB, HALF), lambda i: (0, i, 0)),
            pl.BlockSpec((_RB, 1), lambda i: (i, 0)),
            pl.BlockSpec((IN_DIM, HID_DIM), lambda i: (0, 0)),
            pl.BlockSpec((1, HID_DIM), lambda i: (0, 0)),
            pl.BlockSpec((HID_DIM, OUT_DIM), lambda i: (0, 0)),
            pl.BlockSpec((1, OUT_DIM), lambda i: (0, 0)),
        ],
        out_specs=pl.BlockSpec((_RB, OUT_DIM), lambda i: (i, 0)),
        out_shape=jax.ShapeDtypeStruct((N_NODES, OUT_DIM), jnp.float32),
    )(acc, xs_parts, dinv, W_conv, b_conv, W_lin, b_lin)



def kernel(x, edge_index, W_conv, b_conv, W_lin, b_lin):
    src = edge_index[0].astype(jnp.int32)
    dst = edge_index[1].astype(jnp.int32)
    pad = EP - N_EDGES
    srcp = jnp.concatenate([src, jnp.zeros((pad,), jnp.int32)])
    dstp = jnp.concatenate([dst, jnp.full((pad,), N_NODES, jnp.int32)])
    dst2d = dstp.reshape(NCHUNK, 128)
    src_all = jnp.stack([srcp, srcp + N_NODES]).reshape(2, NCHUNK, 128)

    ones128 = jnp.ones((128, 128), jnp.float32)
    zeros128 = jnp.zeros((NP, HALF), jnp.float32)

    hist = _sc_histogram(dst2d, zeros128, ones128)
    xs_parts, dinv = _tc_norm(hist, x)
    xs_cat = xs_parts.reshape(2 * N_NODES, HALF)
    acc = _sc_segsum(src_all, dst2d, xs_cat, zeros128)
    return _tc_head(acc, xs_parts, dinv, W_conv,
                    b_conv.reshape(1, HID_DIM), W_lin, b_lin.reshape(1, OUT_DIM))

# --- scband reference (transcript-rebuilt; emitter-appended) ---
"""Pipeline reference for scband-traffic-signal-controller-79242146611609 (READ-ONLY COPY).

The authoritative reference and input builder live on the scoring server;
editing this copy changes nothing except your own understanding.
"""

import jax, jax.numpy as jnp
import numpy as np

N_NODES = 10000
IN_DIM = 256
HID_DIM = 512
OUT_DIM = 128
N_EDGES = 160000


def setup_inputs(seed: int = 0) -> dict:
    key = jax.random.key(seed)
    k1, k2, k3, k4, k5, k6 = jax.random.split(key, 6)
    x = jax.random.normal(k1, (N_NODES, IN_DIM), dtype=jnp.float32)
    edge_index = jax.random.randint(k2, (2, N_EDGES), 0, N_NODES, dtype=jnp.int64)
    # GCNConv params (glorot-ish init)
    W_conv = jax.random.normal(k3, (IN_DIM, HID_DIM), dtype=jnp.float32) * (1.0 / np.sqrt(IN_DIM))
    b_conv = jnp.zeros((HID_DIM,), dtype=jnp.float32)
    # Linear head params
    W_lin = jax.random.normal(k4, (HID_DIM, OUT_DIM), dtype=jnp.float32) * (1.0 / np.sqrt(HID_DIM))
    b_lin = jnp.zeros((OUT_DIM,), dtype=jnp.float32)
    return {"x": x, "edge_index": edge_index, "W_conv": W_conv, "b_conv": b_conv,
            "W_lin": W_lin, "b_lin": b_lin}


def _gcn_conv(x, edge_index, W, b):
    N = x.shape[0]
    # add self-loops (PyG GCNConv default)
    loop = jnp.arange(N, dtype=edge_index.dtype)
    src = jnp.concatenate([edge_index[0], loop])
    dst = jnp.concatenate([edge_index[1], loop])
    # symmetric normalization: deg computed on dst (col)
    ones = jnp.ones(src.shape[0], dtype=x.dtype)
    deg = jax.ops.segment_sum(ones, dst, num_segments=N)
    deg_inv_sqrt = jnp.where(deg > 0, jax.lax.rsqrt(deg), 0.0)
    norm = deg_inv_sqrt[src] * deg_inv_sqrt[dst]
    # linear transform then gather-message-scatter
    h = x @ W
    msgs = h[src] * norm[:, None]
    out = jax.ops.segment_sum(msgs, dst, num_segments=N)
    return out + b


def reference(x, edge_index, W_conv, b_conv, W_lin, b_lin):
    h = _gcn_conv(x, edge_index, W_conv, b_conv)
    h = jax.nn.relu(h)
    # dropout is a no-op in eval mode (self.training == False)
    q_values = h @ W_lin + b_lin
    return q_values

if __name__ == "__main__":
    import jax
    _d = setup_inputs()
    print(jax.jit(kernel)(*tuple(_d.values())))

</pallas_src>

<mosaic_0001>
#map = affine_map<(d0, d1) -> (0, 0)>
#map1 = affine_map<(d0, d1) -> (0, 0, 0)>
module attributes {stable_mosaic.version = 14 : i64} {
  func.func @_sc_histogram(%arg0: i32, %arg1: i32, %arg2: memref<1280x128xi32, #tpu.memory_space<hbm>>, %arg3: memref<10112x128xf32, #tpu.memory_space<hbm>>, %arg4: memref<128x128xf32, #tpu.memory_space<hbm>>, %arg5: memref<2x10112x128xf32, #tpu.memory_space<hbm>>, %arg6: memref<10112x128xf32, #tpu.memory_space<vmem_shared>>, %arg7: memref<40x128xi32, #tpu.memory_space<vmem>>, %arg8: memref<128x128xf32, #tpu.memory_space<vmem>>, %arg9: memref<!tpu.dma_semaphore, #tpu.memory_space<semaphore_mem>>) attributes {dimension_semantics = [#tpu.dimension_semantics<core_parallel>, #tpu.dimension_semantics<subcore_parallel>], iteration_bounds = array<i64: 2, 16>, scalar_prefetch = 0 : i64, scratch_operands = 4 : i64, tpu.core_type = #tpu.core_type<sc_vector_subcore>, window_params = [{transform_indices = #map}, {transform_indices = #map}, {transform_indices = #map}, {transform_indices = #map1}]} {
    %mul3A = arith.constant 632 : i32
    %mul3A_0 = arith.muli %arg1, %mul3A : i32
    "tpu.region"() ({
      %run_scoped3A = tpu.sem_alloc : memref<!tpu.dma_semaphore, #tpu.memory_space<semaphore_mem>>
      tpu.enqueue_dma source(%arg4 : memref<128x128xf32, #tpu.memory_space<hbm>>) target(%arg8 : memref<128x128xf32, #tpu.memory_space<vmem>>) target_semaphore(%run_scoped3A : memref<!tpu.dma_semaphore, #tpu.memory_space<semaphore_mem>>)
      tpu.wait_dma2 semaphore(%run_scoped3A : memref<!tpu.dma_semaphore, #tpu.memory_space<semaphore_mem>>) src(%arg4 : memref<128x128xf32, #tpu.memory_space<hbm>>) dst(%arg8 : memref<128x128xf32, #tpu.memory_space<vmem>>)
      tpu.yield
    }) : () -> ()
    "tpu.region"() ({
      %run_scoped3A = tpu.sem_alloc : memref<!tpu.dma_semaphore, #tpu.memory_space<semaphore_mem>>
      %dma_start3A = arith.constant 0 : i32
      %dma_start3A_17 = tpu.memref_slice %arg6[%mul3A_0, %dma_start3A] : memref<10112x128xf32, #tpu.memory_space<vmem_shared>> -> memref<632x128xf32, #tpu.memory_space<vmem_shared>>
      %dma_start3A_18 = arith.constant 0 : i32
      %dma_start3A_19 = tpu.memref_slice %arg3[%mul3A_0, %dma_start3A_18] : memref<10112x128xf32, #tpu.memory_space<hbm>> -> memref<632x128xf32, #tpu.memory_space<hbm>>
      tpu.enqueue_dma source(%dma_start3A_19 : memref<632x128xf32, #tpu.memory_space<hbm>>) target(%dma_start3A_17 : memref<632x128xf32, #tpu.memory_space<vmem_shared>>) target_semaphore(%run_scoped3A : memref<!tpu.dma_semaphore, #tpu.memory_space<semaphore_mem>>)
      %dma_wait3A = arith.constant 0 : i32
      %dma_wait3A_20 = tpu.memref_slice %arg6[%mul3A_0, %dma_wait3A] : memref<10112x128xf32, #tpu.memory_space<vmem_shared>> -> memref<632x128xf32, #tpu.memory_space<vmem_shared>>
      %dma_wait3A_21 = arith.constant 0 : i32
      %dma_wait3A_22 = tpu.memref_slice %arg3[%mul3A_0, %dma_wait3A_21] : memref<10112x128xf32, #tpu.memory_space<hbm>> -> memref<632x128xf32, #tpu.memory_space<hbm>>
      tpu.wait_dma2 semaphore(%run_scoped3A : memref<!tpu.dma_semaphore, #tpu.memory_space<semaphore_mem>>) src(%dma_wait3A_22 : memref<632x128xf32, #tpu.memory_space<hbm>>) dst(%dma_wait3A_20 : memref<632x128xf32, #tpu.memory_space<vmem_shared>>)
      tpu.yield
    }) : () -> ()
    %mul3A_1 = arith.constant 640 : i32
    %mul3A_2 = arith.muli %arg0, %mul3A_1 : i32
    %mul3A_3 = arith.constant 40 : i32
    %mul3A_4 = arith.muli %arg1, %mul3A_3 : i32
    %add3A = arith.addi %mul3A_2, %mul3A_4 : i32
    "tpu.region"() ({
      %run_scoped3A = tpu.sem_alloc : memref<!tpu.dma_semaphore, #tpu.memory_space<semaphore_mem>>
      %dma_start3A = arith.constant 0 : i32
      %dma_start3A_17 = tpu.memref_slice %arg2[%add3A, %dma_start3A] : memref<1280x128xi32, #tpu.memory_space<hbm>> -> memref<40x128xi32, #tpu.memory_space<hbm>>
      %dma_start3A_18 = arith.constant 0 : i32
      %dma_start3A_19 = tpu.memref_slice %arg2[%add3A, %dma_start3A_18] : memref<1280x128xi32, #tpu.memory_space<hbm>> -> memref<40x128xi32, #tpu.memory_space<hbm>>
      tpu.enqueue_dma source(%dma_start3A_19 : memref<40x128xi32, #tpu.memory_space<hbm>>) target(%arg7 : memref<40x128xi32, #tpu.memory_space<vmem>>) target_semaphore(%run_scoped3A : memref<!tpu.dma_semaphore, #tpu.memory_space<semaphore_mem>>)
      %dma_wait3A = arith.constant 0 : i32
      %dma_wait3A_20 = tpu.memref_slice %arg2[%add3A, %dma_wait3A] : memref<1280x128xi32, #tpu.memory_space<hbm>> -> memref<40x128xi32, #tpu.memory_space<hbm>>
      %dma_wait3A_21 = arith.constant 0 : i32
      %dma_wait3A_22 = tpu.memref_slice %arg2[%add3A, %dma_wait3A_21] : memref<1280x128xi32, #tpu.memory_space<hbm>> -> memref<40x128xi32, #tpu.memory_space<hbm>>
      tpu.wait_dma2 semaphore(%run_scoped3A : memref<!tpu.dma_semaphore, #tpu.memory_space<semaphore_mem>>) src(%dma_wait3A_22 : memref<40x128xi32, #tpu.memory_space<hbm>>) dst(%arg7 : memref<40x128xi32, #tpu.memory_space<vmem>>)
      tpu.yield
    }) : () -> ()
    %barrier3A = arith.constant 0 : index
    tpu.barrier barrier_id(%barrier3A)
    %scan3A = arith.constant 0 : i32
    %scan3A_5 = arith.constant 0 : i32
    %scan3A_6 = arith.constant 40 : i32
    %scan3A_7 = arith.addi %scan3A_5, %scan3A_6 : i32
    %scan3A_8 = arith.constant 1 : i32
    scf.for %scan3A_17 = %scan3A_5 to %scan3A_7 step %scan3A_8  : i32 {
      %dma_start3A = arith.constant 0 : i32
      %dma_start3A_18 = tpu.memref_slice %arg7[%scan3A_17, %dma_start3A] : memref<40x128xi32, #tpu.memory_space<vmem>> -> memref<1x128xi32, #tpu.memory_space<vmem>>
      %dma_start3A_19 = tpu.memref_squeeze %dma_start3A_18 : memref<1x128xi32, #tpu.memory_space<vmem>> -> memref<128xi32, #tpu.memory_space<vmem>>
      %dma_start3A_20 = arith.constant 0 : i32
      %dma_start3A_21 = arith.constant 0 : i32
      %dma_start3A_22 = tpu.memref_slice %arg6[%dma_start3A_20, %dma_start3A_21] : memref<10112x128xf32, #tpu.memory_space<vmem_shared>> -> memref<10112x128xf32, #tpu.memory_space<vmem_shared>>
      tpu.enqueue_indirect_dma source(%arg8 : memref<128x128xf32, #tpu.memory_space<vmem>>) target(%dma_start3A_22 : memref<10112x128xf32, #tpu.memory_space<vmem_shared>>) offsets(%dma_start3A_19 : memref<128xi32, #tpu.memory_space<vmem>>) semaphore(%arg9 : memref<!tpu.dma_semaphore, #tpu.memory_space<semaphore_mem>>) {add = true}
    }
    %scan3A_9 = arith.constant 40 : i32
    %scan3A_10 = arith.constant 0 : i32
    %scan3A_11 = arith.constant 0 : i32
    %scan3A_12 = arith.constant 40 : i32
    %scan3A_13 = arith.addi %scan3A_11, %scan3A_12 : i32
    %scan3A_14 = arith.constant 1 : i32
    scf.for %scan3A_17 = %scan3A_11 to %scan3A_13 step %scan3A_14  : i32 {
      %dma_wait3A = arith.constant 0 : i32
      %dma_wait3A_18 = arith.constant 0 : i32
      %dma_wait3A_19 = tpu.memref_slice %arg7[%dma_wait3A, %dma_wait3A_18] : memref<40x128xi32, #tpu.memory_space<vmem>> -> memref<1x128xi32, #tpu.memory_space<vmem>>
      %dma_wait3A_20 = tpu.memref_squeeze %dma_wait3A_19 : memref<1x128xi32, #tpu.memory_space<vmem>> -> memref<128xi32, #tpu.memory_space<vmem>>
      %dma_wait3A_21 = arith.constant 0 : i32
      %dma_wait3A_22 = arith.constant 0 : i32
      %dma_wait3A_23 = tpu.memref_slice %arg6[%dma_wait3A_21, %dma_wait3A_22] : memref<10112x128xf32, #tpu.memory_space<vmem_shared>> -> memref<10112x128xf32, #tpu.memory_space<vmem_shared>>
      tpu.wait_indirect_dma semaphore(%arg9 : memref<!tpu.dma_semaphore, #tpu.memory_space<semaphore_mem>>) src(%arg8 : memref<128x128xf32, #tpu.memory_space<vmem>>) dst(%dma_wait3A_23 : memref<10112x128xf32, #tpu.memory_space<vmem_shared>>)
    }
    %scan3A_15 = arith.constant 40 : i32
    %barrier3A_16 = arith.constant 0 : index
    tpu.barrier barrier_id(%barrier3A_16)
    "tpu.region"() ({
      %run_scoped3A = tpu.sem_alloc : memref<!tpu.dma_semaphore, #tpu.memory_space<semaphore_mem>>
      %dma_start3A = arith.constant 0 : i32
      %dma_start3A_17 = tpu.memref_slice %arg5[%arg0, %mul3A_0, %dma_start3A] : memref<2x10112x128xf32, #tpu.memory_space<hbm>> -> memref<1x632x128xf32, #tpu.memory_space<hbm>>
      %dma_start3A_18 = tpu.memref_squeeze %dma_start3A_17 : memref<1x632x128xf32, #tpu.memory_space<hbm>> -> memref<632x128xf32, #tpu.memory_space<hbm>>
      %dma_start3A_19 = arith.constant 0 : i32
      %dma_start3A_20 = tpu.memref_slice %arg6[%mul3A_0, %dma_start3A_19] : memref<10112x128xf32, #tpu.memory_space<vmem_shared>> -> memref<632x128xf32, #tpu.memory_space<vmem_shared>>
      tpu.enqueue_dma source(%dma_start3A_20 : memref<632x128xf32, #tpu.memory_space<vmem_shared>>) target(%dma_start3A_18 : memref<632x128xf32, #tpu.memory_space<hbm>>) target_semaphore(%run_scoped3A : memref<!tpu.dma_semaphore, #tpu.memory_space<semaphore_mem>>)
      %dma_wait3A = arith.constant 0 : i32
      %dma_wait3A_21 = tpu.memref_slice %arg5[%arg0, %mul3A_0, %dma_wait3A] : memref<2x10112x128xf32, #tpu.memory_space<hbm>> -> memref<1x632x128xf32, #tpu.memory_space<hbm>>
      %dma_wait3A_22 = tpu.memref_squeeze %dma_wait3A_21 : memref<1x632x128xf32, #tpu.memory_space<hbm>> -> memref<632x128xf32, #tpu.memory_space<hbm>>
      %dma_wait3A_23 = arith.constant 0 : i32
      %dma_wait3A_24 = tpu.memref_slice %arg6[%mul3A_0, %dma_wait3A_23] : memref<10112x128xf32, #tpu.memory_space<vmem_shared>> -> memref<632x128xf32, #tpu.memory_space<vmem_shared>>
      tpu.wait_dma2 semaphore(%run_scoped3A : memref<!tpu.dma_semaphore, #tpu.memory_space<semaphore_mem>>) src(%dma_wait3A_24 : memref<632x128xf32, #tpu.memory_space<vmem_shared>>) dst(%dma_wait3A_22 : memref<632x128xf32, #tpu.memory_space<hbm>>)
      tpu.yield
    }) : () -> ()
    return
  }
}

#map = affine_map<(d0, d1) -> (0, 0, 0)>
#map1 = affine_map<(d0, d1) -> (0, 0)>
module attributes {stable_mosaic.version = 14 : i64} {
  func.func @_sc_segsum(%arg0: i32, %arg1: i32, %arg2: memref<2x1280x128xi32, #tpu.memory_space<hbm>>, %arg3: memref<1280x128xi32, #tpu.memory_space<hbm>>, %arg4: memref<20000x128xf32, #tpu.memory_space<hbm>>, %arg5: memref<10112x128xf32, #tpu.memory_space<hbm>>, %arg6: memref<2x10112x128xf32, #tpu.memory_space<hbm>>, %arg7: memref<10112x128xf32, #tpu.memory_space<vmem_shared>>, %arg8: memref<2x16x128xi32, #tpu.memory_space<vmem>>, %arg9: memref<2x16x128xi32, #tpu.memory_space<vmem>>, %arg10: memref<2x128x128xf32, #tpu.memory_space<vmem>>, %arg11: memref<!tpu.dma_semaphore, #tpu.memory_space<semaphore_mem>>, %arg12: memref<!tpu.dma_semaphore, #tpu.memory_space<semaphore_mem>>, %arg13: memref<!tpu.dma_semaphore, #tpu.memory_space<semaphore_mem>>, %arg14: memref<!tpu.dma_semaphore, #tpu.memory_space<semaphore_mem>>, %arg15: memref<!tpu.dma_semaphore, #tpu.memory_space<semaphore_mem>>, %arg16: memref<!tpu.dma_semaphore, #tpu.memory_space<semaphore_mem>>) attributes {dimension_semantics = [#tpu.dimension_semantics<core_parallel>, #tpu.dimension_semantics<subcore_parallel>], iteration_bounds = array<i64: 2, 16>, scalar_prefetch = 0 : i64, scratch_operands = 10 : i64, tpu.core_type = #tpu.core_type<sc_vector_subcore>, window_params = [{transform_indices = #map}, {transform_indices = #map1}, {transform_indices = #map1}, {transform_indices = #map1}, {transform_indices = #map}]} {
    %mul3A = arith.constant 632 : i32
    %mul3A_0 = arith.muli %arg1, %mul3A : i32
    %mul3A_1 = arith.constant 80 : i32
    %mul3A_2 = arith.muli %arg1, %mul3A_1 : i32
    "tpu.region"() ({
      %run_scoped3A_47 = tpu.sem_alloc : memref<!tpu.dma_semaphore, #tpu.memory_space<semaphore_mem>>
      %dma_start3A_48 = arith.constant 0 : i32
      %dma_start3A_49 = tpu.memref_slice %arg7[%mul3A_0, %dma_start3A_48] : memref<10112x128xf32, #tpu.memory_space<vmem_shared>> -> memref<632x128xf32, #tpu.memory_space<vmem_shared>>
      %dma_start3A_50 = arith.constant 0 : i32
      %dma_start3A_51 = tpu.memref_slice %arg5[%mul3A_0, %dma_start3A_50] : memref<10112x128xf32, #tpu.memory_space<hbm>> -> memref<632x128xf32, #tpu.memory_space<hbm>>
      tpu.enqueue_dma source(%dma_start3A_51 : memref<632x128xf32, #tpu.memory_space<hbm>>) target(%dma_start3A_49 : memref<632x128xf32, #tpu.memory_space<vmem_shared>>) target_semaphore(%run_scoped3A_47 : memref<!tpu.dma_semaphore, #tpu.memory_space<semaphore_mem>>)
      %dma_wait3A_52 = arith.constant 0 : i32
      %dma_wait3A_53 = tpu.memref_slice %arg7[%mul3A_0, %dma_wait3A_52] : memref<10112x128xf32, #tpu.memory_space<vmem_shared>> -> memref<632x128xf32, #tpu.memory_space<vmem_shared>>
      %dma_wait3A_54 = arith.constant 0 : i32
      %dma_wait3A_55 = tpu.memref_slice %arg5[%mul3A_0, %dma_wait3A_54] : memref<10112x128xf32, #tpu.memory_space<hbm>> -> memref<632x128xf32, #tpu.memory_space<hbm>>
      tpu.wait_dma2 semaphore(%run_scoped3A_47 : memref<!tpu.dma_semaphore, #tpu.memory_space<semaphore_mem>>) src(%dma_wait3A_55 : memref<632x128xf32, #tpu.memory_space<hbm>>) dst(%dma_wait3A_53 : memref<632x128xf32, #tpu.memory_space<vmem_shared>>)
      tpu.yield
    }) : () -> ()
    %run_scoped3A = arith.constant 0 : i32
    "tpu.region"() ({
      %run_scoped3A_47 = tpu.sem_alloc : memref<!tpu.dma_semaphore, #tpu.memory_space<semaphore_mem>>
      %dma_start3A_48 = arith.constant 0 : i32
      %dma_start3A_49 = arith.constant 0 : i32
      %dma_start3A_50 = tpu.memref_slice %arg8[%run_scoped3A, %dma_start3A_48, %dma_start3A_49] : memref<2x16x128xi32, #tpu.memory_space<vmem>> -> memref<1x16x128xi32, #tpu.memory_space<vmem>>
      %dma_start3A_51 = tpu.memref_squeeze %dma_start3A_50 : memref<1x16x128xi32, #tpu.memory_space<vmem>> -> memref<16x128xi32, #tpu.memory_space<vmem>>
      %dma_start3A_52 = arith.constant 0 : i32
      %dma_start3A_53 = tpu.memref_slice %arg2[%arg0, %mul3A_2, %dma_start3A_52] : memref<2x1280x128xi32, #tpu.memory_space<hbm>> -> memref<1x16x128xi32, #tpu.memory_space<hbm>>
      %dma_start3A_54 = tpu.memref_squeeze %dma_start3A_53 : memref<1x16x128xi32, #tpu.memory_space<hbm>> -> memref<16x128xi32, #tpu.memory_space<hbm>>
      %dma_start3A_55 = arith.constant 0 : i32
      %dma_start3A_56 = arith.constant 0 : i32
      %dma_start3A_57 = tpu.memref_slice %arg8[%run_scoped3A, %dma_start3A_55, %dma_start3A_56] : memref<2x16x128xi32, #tpu.memory_space<vmem>> -> memref<1x16x128xi32, #tpu.memory_space<vmem>>
      %dma_start3A_58 = tpu.memref_squeeze %dma_start3A_57 : memref<1x16x128xi32, #tpu.memory_space<vmem>> -> memref<16x128xi32, #tpu.memory_space<vmem>>
      %dma_start3A_59 = arith.constant 0 : i32
      %dma_start3A_60 = tpu.memref_slice %arg2[%arg0, %mul3A_2, %dma_start3A_59] : memref<2x1280x128xi32, #tpu.memory_space<hbm>> -> memref<1x16x128xi32, #tpu.memory_space<hbm>>
      %dma_start3A_61 = tpu.memref_squeeze %dma_start3A_60 : memref<1x16x128xi32, #tpu.memory_space<hbm>> -> memref<16x128xi32, #tpu.memory_space<hbm>>
      tpu.enqueue_dma source(%dma_start3A_61 : memref<16x128xi32, #tpu.memory_space<hbm>>) target(%dma_start3A_58 : memref<16x128xi32, #tpu.memory_space<vmem>>) target_semaphore(%run_scoped3A_47 : memref<!tpu.dma_semaphore, #tpu.memory_space<semaphore_mem>>)
      %dma_wait3A_62 = arith.constant 0 : i32
      %dma_wait3A_63 = arith.constant 0 : i32
      %dma_wait3A_64 = tpu.memref_slice %arg8[%run_scoped3A, %dma_wait3A_62, %dma_wait3A_63] : memref<2x16x128xi32, #tpu.memory_space<vmem>> -> memref<1x16x128xi32, #tpu.memory_space<vmem>>
      %dma_wait3A_65 = tpu.memref_squeeze %dma_wait3A_64 : memref<1x16x128xi32, #tpu.memory_space<vmem>> -> memref<16x128xi32, #tpu.memory_space<vmem>>
      %dma_wait3A_66 = arith.constant 0 : i32
      %dma_wait3A_67 = tpu.memref_slice %arg2[%arg0, %mul3A_2, %dma_wait3A_66] : memref<2x1280x128xi32, #tpu.memory_space<hbm>> -> memref<1x16x128xi32, #tpu.memory_space<hbm>>
      %dma_wait3A_68 = tpu.memref_squeeze %dma_wait3A_67 : memref<1x16x128xi32, #tpu.memory_space<hbm>> -> memref<16x128xi32, #tpu.memory_space<hbm>>
      %dma_wait3A_69 = arith.constant 0 : i32
      %dma_wait3A_70 = arith.constant 0 : i32
      %dma_wait3A_71 = tpu.memref_slice %arg8[%run_scoped3A, %dma_wait3A_69, %dma_wait3A_70] : memref<2x16x128xi32, #tpu.memory_space<vmem>> -> memref<1x16x128xi32, #tpu.memory_space<vmem>>
      %dma_wait3A_72 = tpu.memref_squeeze %dma_wait3A_71 : memref<1x16x128xi32, #tpu.memory_space<vmem>> -> memref<16x128xi32, #tpu.memory_space<vmem>>
      %dma_wait3A_73 = arith.constant 0 : i32
      %dma_wait3A_74 = tpu.memref_slice %arg2[%arg0, %mul3A_2, %dma_wait3A_73] : memref<2x1280x128xi32, #tpu.memory_space<hbm>> -> memref<1x16x128xi32, #tpu.memory_space<hbm>>
      %dma_wait3A_75 = tpu.memref_squeeze %dma_wait3A_74 : memref<1x16x128xi32, #tpu.memory_space<hbm>> -> memref<16x128xi32, #tpu.memory_space<hbm>>
      tpu.wait_dma2 semaphore(%run_scoped3A_47 : memref<!tpu.dma_semaphore, #tpu.memory_space<semaphore_mem>>) src(%dma_wait3A_75 : memref<16x128xi32, #tpu.memory_space<hbm>>) dst(%dma_wait3A_72 : memref<16x128xi32, #tpu.memory_space<vmem>>)
      tpu.yield
    }) : () -> ()
    %run_scoped3A_3 = arith.constant 0 : i32
    "tpu.region"() ({
      %run_scoped3A_47 = tpu.sem_alloc : memref<!tpu.dma_semaphore, #tpu.memory_space<semaphore_mem>>
      %dma_start3A_48 = arith.constant 0 : i32
      %dma_start3A_49 = arith.constant 0 : i32
      %dma_start3A_50 = tpu.memref_slice %arg9[%run_scoped3A_3, %dma_start3A_48, %dma_start3A_49] : memref<2x16x128xi32, #tpu.memory_space<vmem>> -> memref<1x16x128xi32, #tpu.memory_space<vmem>>
      %dma_start3A_51 = tpu.memref_squeeze %dma_start3A_50 : memref<1x16x128xi32, #tpu.memory_space<vmem>> -> memref<16x128xi32, #tpu.memory_space<vmem>>
      %dma_start3A_52 = arith.constant 0 : i32
      %dma_start3A_53 = tpu.memref_slice %arg3[%mul3A_2, %dma_start3A_52] : memref<1280x128xi32, #tpu.memory_space<hbm>> -> memref<16x128xi32, #tpu.memory_space<hbm>>
      %dma_start3A_54 = arith.constant 0 : i32
      %dma_start3A_55 = arith.constant 0 : i32
      %dma_start3A_56 = tpu.memref_slice %arg9[%run_scoped3A_3, %dma_start3A_54, %dma_start3A_55] : memref<2x16x128xi32, #tpu.memory_space<vmem>> -> memref<1x16x128xi32, #tpu.memory_space<vmem>>
      %dma_start3A_57 = tpu.memref_squeeze %dma_start3A_56 : memref<1x16x128xi32, #tpu.memory_space<vmem>> -> memref<16x128xi32, #tpu.memory_space<vmem>>
      %dma_start3A_58 = arith.constant 0 : i32
      %dma_start3A_59 = tpu.memref_slice %arg3[%mul3A_2, %dma_start3A_58] : memref<1280x128xi32, #tpu.memory_space<hbm>> -> memref<16x128xi32, #tpu.memory_space<hbm>>
      tpu.enqueue_dma source(%dma_start3A_59 : memref<16x128xi32, #tpu.memory_space<hbm>>) target(%dma_start3A_57 : memref<16x128xi32, #tpu.memory_space<vmem>>) target_semaphore(%run_scoped3A_47 : memref<!tpu.dma_semaphore, #tpu.memory_space<semaphore_mem>>)
      %dma_wait3A_60 = arith.constant 0 : i32
      %dma_wait3A_61 = arith.constant 0 : i32
      %dma_wait3A_62 = tpu.memref_slice %arg9[%run_scoped3A_3, %dma_wait3A_60, %dma_wait3A_61] : memref<2x16x128xi32, #tpu.memory_space<vmem>> -> memref<1x16x128xi32, #tpu.memory_space<vmem>>
      %dma_wait3A_63 = tpu.memref_squeeze %dma_wait3A_62 : memref<1x16x128xi32, #tpu.memory_space<vmem>> -> memref<16x128xi32, #tpu.memory_space<vmem>>
      %dma_wait3A_64 = arith.constant 0 : i32
      %dma_wait3A_65 = tpu.memref_slice %arg3[%mul3A_2, %dma_wait3A_64] : memref<1280x128xi32, #tpu.memory_space<hbm>> -> memref<16x128xi32, #tpu.memory_space<hbm>>
      %dma_wait3A_66 = arith.constant 0 : i32
      %dma_wait3A_67 = arith.constant 0 : i32
      %dma_wait3A_68 = tpu.memref_slice %arg9[%run_scoped3A_3, %dma_wait3A_66, %dma_wait3A_67] : memref<2x16x128xi32, #tpu.memory_space<vmem>> -> memref<1x16x128xi32, #tpu.memory_space<vmem>>
      %dma_wait3A_69 = tpu.memref_squeeze %dma_wait3A_68 : memref<1x16x128xi32, #tpu.memory_space<vmem>> -> memref<16x128xi32, #tpu.memory_space<vmem>>
      %dma_wait3A_70 = arith.constant 0 : i32
      %dma_wait3A_71 = tpu.memref_slice %arg3[%mul3A_2, %dma_wait3A_70] : memref<1280x128xi32, #tpu.memory_space<hbm>> -> memref<16x128xi32, #tpu.memory_space<hbm>>
      tpu.wait_dma2 semaphore(%run_scoped3A_47 : memref<!tpu.dma_semaphore, #tpu.memory_space<semaphore_mem>>) src(%dma_wait3A_71 : memref<16x128xi32, #tpu.memory_space<hbm>>) dst(%dma_wait3A_69 : memref<16x128xi32, #tpu.memory_space<vmem>>)
      tpu.yield
    }) : () -> ()
    %barrier3A = arith.constant 0 : index
    tpu.barrier barrier_id(%barrier3A)
    %dma_start3A = arith.constant 0 : i32
    %dma_start3A_4 = arith.constant 0 : i32
    %dma_start3A_5 = arith.constant 0 : i32
    %dma_start3A_6 = arith.constant 0 : i32
    %dma_start3A_7 = arith.constant 0 : i32
    %dma_start3A_8 = tpu.memref_slice %arg10[%dma_start3A_5, %dma_start3A_6, %dma_start3A_7] : memref<2x128x128xf32, #tpu.memory_space<vmem>> -> memref<1x128x128xf32, #tpu.memory_space<vmem>>
    %dma_start3A_9 = tpu.memref_squeeze %dma_start3A_8 : memref<1x128x128xf32, #tpu.memory_space<vmem>> -> memref<128x128xf32, #tpu.memory_space<vmem>>
    %dma_start3A_10 = arith.constant 0 : i32
    %dma_start3A_11 = tpu.memref_slice %arg8[%dma_start3A, %dma_start3A_4, %dma_start3A_10] : memref<2x16x128xi32, #tpu.memory_space<vmem>> -> memref<1x1x128xi32, #tpu.memory_space<vmem>>
    %dma_start3A_12 = tpu.memref_squeeze %dma_start3A_11 : memref<1x1x128xi32, #tpu.memory_space<vmem>> -> memref<128xi32, #tpu.memory_space<vmem>>
    %dma_start3A_13 = arith.constant 0 : i32
    %dma_start3A_14 = arith.constant 0 : i32
    %dma_start3A_15 = tpu.memref_slice %arg4[%dma_start3A_13, %dma_start3A_14] : memref<20000x128xf32, #tpu.memory_space<hbm>> -> memref<20000x128xf32, #tpu.memory_space<hbm>>
    tpu.enqueue_indirect_dma source(%dma_start3A_15 : memref<20000x128xf32, #tpu.memory_space<hbm>>) target(%dma_start3A_9 : memref<128x128xf32, #tpu.memory_space<vmem>>) offsets(%dma_start3A_12 : memref<128xi32, #tpu.memory_space<vmem>>) semaphore(%arg11 : memref<!tpu.dma_semaphore, #tpu.memory_space<semaphore_mem>>)
    %scan3A = arith.constant 0 : i32
    %scan3A_16 = arith.constant 0 : i32
    %scan3A_17 = arith.constant 40 : i32
    %scan3A_18 = arith.addi %scan3A_16, %scan3A_17 : i32
    %scan3A_19 = arith.constant 1 : i32
    scf.for %scan3A_47 = %scan3A_16 to %scan3A_18 step %scan3A_19  : i32 {
      %mul3A_48 = arith.constant 2 : i32
      %mul3A_49 = arith.muli %mul3A_48, %scan3A_47 : i32
      %add3A = arith.constant 0 : i32
      %add3A_50 = arith.addi %mul3A_49, %add3A : i32
      %jit3A = arith.constant 16 : i32
      %div3A = arith.divsi %add3A_50, %jit3A : i32
      %sign3A = arith.constant 0 : i32
      %sign3A_51 = arith.cmpi sgt, %add3A_50, %sign3A : i32
      %sign3A_52 = arith.extui %sign3A_51 : i1 to i32
      %sign3A_53 = arith.constant 0 : i32
      %sign3A_54 = arith.cmpi slt, %add3A_50, %sign3A_53 : i32
      %sign3A_55 = arith.extui %sign3A_54 : i1 to i32
      %sign3A_56 = arith.subi %sign3A_52, %sign3A_55 : i32
      %sign3A_57 = arith.constant 0 : i32
      %sign3A_58 = arith.cmpi sgt, %jit3A, %sign3A_57 : i32
      %sign3A_59 = arith.extui %sign3A_58 : i1 to i32
      %sign3A_60 = arith.constant 0 : i32
      %sign3A_61 = arith.cmpi slt, %jit3A, %sign3A_60 : i32
      %sign3A_62 = arith.extui %sign3A_61 : i1 to i32
      %sign3A_63 = arith.subi %sign3A_59, %sign3A_62 : i32
      %ne3A = arith.cmpi ne, %sign3A_56, %sign3A_63 : i32
      %rem3A = arith.remsi %add3A_50, %jit3A : i32
      %ne3A_64 = arith.constant 0 : i32
      %ne3A_65 = arith.cmpi ne, %rem3A, %ne3A_64 : i32
      %and3A = arith.andi %ne3A, %ne3A_65 : i1
      %sub3A = arith.constant 1 : i32
      %sub3A_66 = arith.subi %div3A, %sub3A : i32
      %select_n3A = arith.select %and3A, %sub3A_66, %div3A : i32
      %mul3A_67 = arith.constant 16 : i32
      %mul3A_68 = arith.muli %select_n3A, %mul3A_67 : i32
      %sub3A_69 = arith.subi %add3A_50, %mul3A_68 : i32
      %jit3A_70 = arith.constant 2 : i32
      %eq3A = arith.constant 0 : i32
      %eq3A_71 = arith.cmpi eq, %jit3A_70, %eq3A : i32
      %jit3A_72 = arith.constant 1 : i32
      %select_n3A_73 = arith.select %eq3A_71, %jit3A_72, %jit3A_70 : i32
      %rem3A_74 = arith.remsi %select_n3A, %select_n3A_73 : i32
      %ne3A_75 = arith.constant 0 : i32
      %ne3A_76 = arith.cmpi ne, %rem3A_74, %ne3A_75 : i32
      %lt3A = arith.constant 0 : i32
      %lt3A_77 = arith.cmpi slt, %rem3A_74, %lt3A : i32
      %lt3A_78 = arith.constant 0 : i32
      %lt3A_79 = arith.cmpi slt, %select_n3A_73, %lt3A_78 : i32
      %ne3A_80 = arith.xori %lt3A_77, %lt3A_79 : i1
      %and3A_81 = arith.andi %ne3A_80, %ne3A_76 : i1
      %add3A_82 = arith.addi %rem3A_74, %select_n3A_73 : i32
      %select_n3A_83 = arith.select %and3A_81, %add3A_82, %rem3A_74 : i32
      %eq3A_84 = arith.constant 2 : i32
      %eq3A_85 = arith.cmpi eq, %sub3A_69, %eq3A_84 : i32
      %lt3A_86 = arith.constant 4 : i32
      %lt3A_87 = arith.cmpi slt, %select_n3A, %lt3A_86 : i32
      %and3A_88 = arith.andi %eq3A_85, %lt3A_87 : i1
      %convert_element_type3A = arith.extui %and3A_88 : i1 to i32
      %cond3A = arith.constant 0 : i32
      %cond3A_89 = arith.cmpi ne, %convert_element_type3A, %cond3A : i32
      scf.if %cond3A_89 {
        %add3A_281 = arith.constant 1 : i32
        %add3A_282 = arith.addi %select_n3A, %add3A_281 : i32
        %mul3A_283 = arith.constant 16 : i32
        %mul3A_284 = arith.muli %add3A_282, %mul3A_283 : i32
        %add3A_285 = arith.addi %mul3A_2, %mul3A_284 : i32
        %add3A_286 = arith.constant 1 : i32
        %add3A_287 = arith.addi %select_n3A, %add3A_286 : i32
        %jit3A_288 = arith.constant 2 : i32
        %eq3A_289 = arith.constant 0 : i32
        %eq3A_290 = arith.cmpi eq, %jit3A_288, %eq3A_289 : i32
        %jit3A_291 = arith.constant 1 : i32
        %select_n3A_292 = arith.select %eq3A_290, %jit3A_291, %jit3A_288 : i32
        %rem3A_293 = arith.remsi %add3A_287, %select_n3A_292 : i32
        %ne3A_294 = arith.constant 0 : i32
        %ne3A_295 = arith.cmpi ne, %rem3A_293, %ne3A_294 : i32
        %lt3A_296 = arith.constant 0 : i32
        %lt3A_297 = arith.cmpi slt, %rem3A_293, %lt3A_296 : i32
        %lt3A_298 = arith.constant 0 : i32
        %lt3A_299 = arith.cmpi slt, %select_n3A_292, %lt3A_298 : i32
        %ne3A_300 = arith.xori %lt3A_297, %lt3A_299 : i1
        %and3A_301 = arith.andi %ne3A_300, %ne3A_295 : i1
        %add3A_302 = arith.addi %rem3A_293, %select_n3A_292 : i32
        %select_n3A_303 = arith.select %and3A_301, %add3A_302, %rem3A_293 : i32
        %dma_start3A_304 = arith.constant 0 : i32
        %dma_start3A_305 = arith.constant 0 : i32
        %dma_start3A_306 = tpu.memref_slice %arg8[%select_n3A_303, %dma_start3A_304, %dma_start3A_305] : memref<2x16x128xi32, #tpu.memory_space<vmem>> -> memref<1x16x128xi32, #tpu.memory_space<vmem>>
        %dma_start3A_307 = tpu.memref_squeeze %dma_start3A_306 : memref<1x16x128xi32, #tpu.memory_space<vmem>> -> memref<16x128xi32, #tpu.memory_space<vmem>>
        %dma_start3A_308 = arith.constant 0 : i32
        %dma_start3A_309 = tpu.memref_slice %arg2[%arg0, %add3A_285, %dma_start3A_308] : memref<2x1280x128xi32, #tpu.memory_space<hbm>> -> memref<1x16x128xi32, #tpu.memory_space<hbm>>
        %dma_start3A_310 = tpu.memref_squeeze %dma_start3A_309 : memref<1x16x128xi32, #tpu.memory_space<hbm>> -> memref<16x128xi32, #tpu.memory_space<hbm>>
        %dma_start3A_311 = arith.constant 0 : i32
        %dma_start3A_312 = arith.constant 0 : i32
        %dma_start3A_313 = tpu.memref_slice %arg8[%select_n3A_303, %dma_start3A_311, %dma_start3A_312] : memref<2x16x128xi32, #tpu.memory_space<vmem>> -> memref<1x16x128xi32, #tpu.memory_space<vmem>>
        %dma_start3A_314 = tpu.memref_squeeze %dma_start3A_313 : memref<1x16x128xi32, #tpu.memory_space<vmem>> -> memref<16x128xi32, #tpu.memory_space<vmem>>
        %dma_start3A_315 = arith.constant 0 : i32
        %dma_start3A_316 = tpu.memref_slice %arg2[%arg0, %add3A_285, %dma_start3A_315] : memref<2x1280x128xi32, #tpu.memory_space<hbm>> -> memref<1x16x128xi32, #tpu.memory_space<hbm>>
        %dma_start3A_317 = tpu.memref_squeeze %dma_start3A_316 : memref<1x16x128xi32, #tpu.memory_space<hbm>> -> memref<16x128xi32, #tpu.memory_space<hbm>>
        tpu.enqueue_dma source(%dma_start3A_317 : memref<16x128xi32, #tpu.memory_space<hbm>>) target(%dma_start3A_314 : memref<16x128xi32, #tpu.memory_space<vmem>>) target_semaphore(%arg15 : memref<!tpu.dma_semaphore, #tpu.memory_space<semaphore_mem>>)
        %dma_start3A_318 = arith.constant 0 : i32
        %dma_start3A_319 = arith.constant 0 : i32
        %dma_start3A_320 = tpu.memref_slice %arg9[%select_n3A_303, %dma_start3A_318, %dma_start3A_319] : memref<2x16x128xi32, #tpu.memory_space<vmem>> -> memref<1x16x128xi32, #tpu.memory_space<vmem>>
        %dma_start3A_321 = tpu.memref_squeeze %dma_start3A_320 : memref<1x16x128xi32, #tpu.memory_space<vmem>> -> memref<16x128xi32, #tpu.memory_space<vmem>>
        %dma_start3A_322 = arith.constant 0 : i32
        %dma_start3A_323 = tpu.memref_slice %arg3[%add3A_285, %dma_start3A_322] : memref<1280x128xi32, #tpu.memory_space<hbm>> -> memref<16x128xi32, #tpu.memory_space<hbm>>
        %dma_start3A_324 = arith.constant 0 : i32
        %dma_start3A_325 = arith.constant 0 : i32
        %dma_start3A_326 = tpu.memref_slice %arg9[%select_n3A_303, %dma_start3A_324, %dma_start3A_325] : memref<2x16x128xi32, #tpu.memory_space<vmem>> -> memref<1x16x128xi32, #tpu.memory_space<vmem>>
        %dma_start3A_327 = tpu.memref_squeeze %dma_start3A_326 : memref<1x16x128xi32, #tpu.memory_space<vmem>> -> memref<16x128xi32, #tpu.memory_space<vmem>>
        %dma_start3A_328 = arith.constant 0 : i32
        %dma_start3A_329 = tpu.memref_slice %arg3[%add3A_285, %dma_start3A_328] : memref<1280x128xi32, #tpu.memory_space<hbm>> -> memref<16x128xi32, #tpu.memory_space<hbm>>
        tpu.enqueue_dma source(%dma_start3A_329 : memref<16x128xi32, #tpu.memory_space<hbm>>) target(%dma_start3A_327 : memref<16x128xi32, #tpu.memory_space<vmem>>) target_semaphore(%arg16 : memref<!tpu.dma_semaphore, #tpu.memory_space<semaphore_mem>>)
      } else {
      }
      %dma_wait3A_90 = arith.constant 0 : i32
      %dma_wait3A_91 = arith.constant 0 : i32
      %dma_wait3A_92 = arith.constant 0 : i32
      %dma_wait3A_93 = tpu.memref_slice %arg10[%dma_wait3A_90, %dma_wait3A_91, %dma_wait3A_92] : memref<2x128x128xf32, #tpu.memory_space<vmem>> -> memref<1x128x128xf32, #tpu.memory_space<vmem>>
      %dma_wait3A_94 = tpu.memref_squeeze %dma_wait3A_93 : memref<1x128x128xf32, #tpu.memory_space<vmem>> -> memref<128x128xf32, #tpu.memory_space<vmem>>
      %dma_wait3A_95 = arith.constant 0 : i32
      %dma_wait3A_96 = tpu.memref_slice %arg8[%select_n3A_83, %sub3A_69, %dma_wait3A_95] : memref<2x16x128xi32, #tpu.memory_space<vmem>> -> memref<1x1x128xi32, #tpu.memory_space<vmem>>
      %dma_wait3A_97 = tpu.memref_squeeze %dma_wait3A_96 : memref<1x1x128xi32, #tpu.memory_space<vmem>> -> memref<128xi32, #tpu.memory_space<vmem>>
      %dma_wait3A_98 = arith.constant 0 : i32
      %dma_wait3A_99 = arith.constant 0 : i32
      %dma_wait3A_100 = tpu.memref_slice %arg4[%dma_wait3A_98, %dma_wait3A_99] : memref<20000x128xf32, #tpu.memory_space<hbm>> -> memref<20000x128xf32, #tpu.memory_space<hbm>>
      tpu.wait_indirect_dma semaphore(%arg11 : memref<!tpu.dma_semaphore, #tpu.memory_space<semaphore_mem>>) src(%dma_wait3A_100 : memref<20000x128xf32, #tpu.memory_space<hbm>>) dst(%dma_wait3A_94 : memref<128x128xf32, #tpu.memory_space<vmem>>)
      %dma_start3A_101 = arith.constant 0 : i32
      %dma_start3A_102 = arith.constant 0 : i32
      %dma_start3A_103 = arith.constant 0 : i32
      %dma_start3A_104 = tpu.memref_slice %arg10[%dma_start3A_101, %dma_start3A_102, %dma_start3A_103] : memref<2x128x128xf32, #tpu.memory_space<vmem>> -> memref<1x128x128xf32, #tpu.memory_space<vmem>>
      %dma_start3A_105 = tpu.memref_squeeze %dma_start3A_104 : memref<1x128x128xf32, #tpu.memory_space<vmem>> -> memref<128x128xf32, #tpu.memory_space<vmem>>
      %dma_start3A_106 = arith.constant 0 : i32
      %dma_start3A_107 = tpu.memref_slice %arg9[%select_n3A_83, %sub3A_69, %dma_start3A_106] : memref<2x16x128xi32, #tpu.memory_space<vmem>> -> memref<1x1x128xi32, #tpu.memory_space<vmem>>
      %dma_start3A_108 = tpu.memref_squeeze %dma_start3A_107 : memref<1x1x128xi32, #tpu.memory_space<vmem>> -> memref<128xi32, #tpu.memory_space<vmem>>
      %dma_start3A_109 = arith.constant 0 : i32
      %dma_start3A_110 = arith.constant 0 : i32
      %dma_start3A_111 = tpu.memref_slice %arg7[%dma_start3A_109, %dma_start3A_110] : memref<10112x128xf32, #tpu.memory_space<vmem_shared>> -> memref<10112x128xf32, #tpu.memory_space<vmem_shared>>
      tpu.enqueue_indirect_dma source(%dma_start3A_105 : memref<128x128xf32, #tpu.memory_space<vmem>>) target(%dma_start3A_111 : memref<10112x128xf32, #tpu.memory_space<vmem_shared>>) offsets(%dma_start3A_108 : memref<128xi32, #tpu.memory_space<vmem>>) semaphore(%arg13 : memref<!tpu.dma_semaphore, #tpu.memory_space<semaphore_mem>>) {add = true}
      %add3A_112 = arith.constant 1 : i32
      %add3A_113 = arith.addi %add3A_50, %add3A_112 : i32
      %jit3A_114 = arith.constant 16 : i32
      %div3A_115 = arith.divsi %add3A_113, %jit3A_114 : i32
      %sign3A_116 = arith.constant 0 : i32
      %sign3A_117 = arith.cmpi sgt, %add3A_113, %sign3A_116 : i32
      %sign3A_118 = arith.extui %sign3A_117 : i1 to i32
      %sign3A_119 = arith.constant 0 : i32
      %sign3A_120 = arith.cmpi slt, %add3A_113, %sign3A_119 : i32
      %sign3A_121 = arith.extui %sign3A_120 : i1 to i32
      %sign3A_122 = arith.subi %sign3A_118, %sign3A_121 : i32
      %sign3A_123 = arith.constant 0 : i32
      %sign3A_124 = arith.cmpi sgt, %jit3A_114, %sign3A_123 : i32
      %sign3A_125 = arith.extui %sign3A_124 : i1 to i32
      %sign3A_126 = arith.constant 0 : i32
      %sign3A_127 = arith.cmpi slt, %jit3A_114, %sign3A_126 : i32
      %sign3A_128 = arith.extui %sign3A_127 : i1 to i32
      %sign3A_129 = arith.subi %sign3A_125, %sign3A_128 : i32
      %ne3A_130 = arith.cmpi ne, %sign3A_122, %sign3A_129 : i32
      %rem3A_131 = arith.remsi %add3A_113, %jit3A_114 : i32
      %ne3A_132 = arith.constant 0 : i32
      %ne3A_133 = arith.cmpi ne, %rem3A_131, %ne3A_132 : i32
      %and3A_134 = arith.andi %ne3A_130, %ne3A_133 : i1
      %sub3A_135 = arith.constant 1 : i32
      %sub3A_136 = arith.subi %div3A_115, %sub3A_135 : i32
      %select_n3A_137 = arith.select %and3A_134, %sub3A_136, %div3A_115 : i32
      %mul3A_138 = arith.constant 16 : i32
      %mul3A_139 = arith.muli %select_n3A_137, %mul3A_138 : i32
      %sub3A_140 = arith.subi %add3A_113, %mul3A_139 : i32
      %jit3A_141 = arith.constant 2 : i32
      %eq3A_142 = arith.constant 0 : i32
      %eq3A_143 = arith.cmpi eq, %jit3A_141, %eq3A_142 : i32
      %jit3A_144 = arith.constant 1 : i32
      %select_n3A_145 = arith.select %eq3A_143, %jit3A_144, %jit3A_141 : i32
      %rem3A_146 = arith.remsi %select_n3A_137, %select_n3A_145 : i32
      %ne3A_147 = arith.constant 0 : i32
      %ne3A_148 = arith.cmpi ne, %rem3A_146, %ne3A_147 : i32
      %lt3A_149 = arith.constant 0 : i32
      %lt3A_150 = arith.cmpi slt, %rem3A_146, %lt3A_149 : i32
      %lt3A_151 = arith.constant 0 : i32
      %lt3A_152 = arith.cmpi slt, %select_n3A_145, %lt3A_151 : i32
      %ne3A_153 = arith.xori %lt3A_150, %lt3A_152 : i1
      %and3A_154 = arith.andi %ne3A_153, %ne3A_148 : i1
      %add3A_155 = arith.addi %rem3A_146, %select_n3A_145 : i32
      %select_n3A_156 = arith.select %and3A_154, %add3A_155, %rem3A_146 : i32
      %lt3A_157 = arith.constant 80 : i32
      %lt3A_158 = arith.cmpi slt, %add3A_113, %lt3A_157 : i32
      %convert_element_type3A_159 = arith.extui %lt3A_158 : i1 to i32
      %cond3A_160 = arith.constant 0 : i32
      %cond3A_161 = arith.cmpi ne, %convert_element_type3A_159, %cond3A_160 : i32
      scf.if %cond3A_161 {
        %ge3A = arith.constant 2 : i32
        %ge3A_281 = arith.cmpi sge, %add3A_113, %ge3A : i32
        %convert_element_type3A_282 = arith.extui %ge3A_281 : i1 to i32
        %cond3A_283 = arith.constant 0 : i32
        %cond3A_284 = arith.cmpi ne, %convert_element_type3A_282, %cond3A_283 : i32
        scf.if %cond3A_284 {
          %dma_wait3A_304 = arith.constant 1 : i32
          %dma_wait3A_305 = arith.constant 0 : i32
          %dma_wait3A_306 = arith.constant 0 : i32
          %dma_wait3A_307 = arith.constant 0 : i32
          %dma_wait3A_308 = arith.constant 0 : i32
          %dma_wait3A_309 = tpu.memref_slice %arg10[%dma_wait3A_304, %dma_wait3A_307, %dma_wait3A_308] : memref<2x128x128xf32, #tpu.memory_space<vmem>> -> memref<1x128x128xf32, #tpu.memory_space<vmem>>
          %dma_wait3A_310 = tpu.memref_squeeze %dma_wait3A_309 : memref<1x128x128xf32, #tpu.memory_space<vmem>> -> memref<128x128xf32, #tpu.memory_space<vmem>>
          %dma_wait3A_311 = arith.constant 0 : i32
          %dma_wait3A_312 = tpu.memref_slice %arg9[%dma_wait3A_305, %dma_wait3A_306, %dma_wait3A_311] : memref<2x16x128xi32, #tpu.memory_space<vmem>> -> memref<1x1x128xi32, #tpu.memory_space<vmem>>
          %dma_wait3A_313 = tpu.memref_squeeze %dma_wait3A_312 : memref<1x1x128xi32, #tpu.memory_space<vmem>> -> memref<128xi32, #tpu.memory_space<vmem>>
          %dma_wait3A_314 = arith.constant 0 : i32
          %dma_wait3A_315 = arith.constant 0 : i32
          %dma_wait3A_316 = tpu.memref_slice %arg7[%dma_wait3A_314, %dma_wait3A_315] : memref<10112x128xf32, #tpu.memory_space<vmem_shared>> -> memref<10112x128xf32, #tpu.memory_space<vmem_shared>>
          tpu.wait_indirect_dma semaphore(%arg14 : memref<!tpu.dma_semaphore, #tpu.memory_space<semaphore_mem>>) src(%dma_wait3A_310 : memref<128x128xf32, #tpu.memory_space<vmem>>) dst(%dma_wait3A_316 : memref<10112x128xf32, #tpu.memory_space<vmem_shared>>)
        } else {
        }
        %eq3A_285 = arith.constant 0 : i32
        %eq3A_286 = arith.cmpi eq, %sub3A_140, %eq3A_285 : i32
        %ge3A_287 = arith.constant 1 : i32
        %ge3A_288 = arith.cmpi sge, %select_n3A_137, %ge3A_287 : i32
        %and3A_289 = arith.andi %eq3A_286, %ge3A_288 : i1
        %convert_element_type3A_290 = arith.extui %and3A_289 : i1 to i32
        %cond3A_291 = arith.constant 0 : i32
        %cond3A_292 = arith.cmpi ne, %convert_element_type3A_290, %cond3A_291 : i32
        scf.if %cond3A_292 {
          %mul3A_304 = arith.constant 16 : i32
          %mul3A_305 = arith.muli %select_n3A_137, %mul3A_304 : i32
          %add3A_306 = arith.addi %mul3A_2, %mul3A_305 : i32
          %dma_wait3A_307 = arith.constant 0 : i32
          %dma_wait3A_308 = arith.constant 0 : i32
          %dma_wait3A_309 = tpu.memref_slice %arg8[%select_n3A_156, %dma_wait3A_307, %dma_wait3A_308] : memref<2x16x128xi32, #tpu.memory_space<vmem>> -> memref<1x16x128xi32, #tpu.memory_space<vmem>>
          %dma_wait3A_310 = tpu.memref_squeeze %dma_wait3A_309 : memref<1x16x128xi32, #tpu.memory_space<vmem>> -> memref<16x128xi32, #tpu.memory_space<vmem>>
          %dma_wait3A_311 = arith.constant 0 : i32
          %dma_wait3A_312 = tpu.memref_slice %arg2[%arg0, %add3A_306, %dma_wait3A_311] : memref<2x1280x128xi32, #tpu.memory_space<hbm>> -> memref<1x16x128xi32, #tpu.memory_space<hbm>>
          %dma_wait3A_313 = tpu.memref_squeeze %dma_wait3A_312 : memref<1x16x128xi32, #tpu.memory_space<hbm>> -> memref<16x128xi32, #tpu.memory_space<hbm>>
          %dma_wait3A_314 = arith.constant 0 : i32
          %dma_wait3A_315 = arith.constant 0 : i32
          %dma_wait3A_316 = tpu.memref_slice %arg8[%select_n3A_156, %dma_wait3A_314, %dma_wait3A_315] : memref<2x16x128xi32, #tpu.memory_space<vmem>> -> memref<1x16x128xi32, #tpu.memory_space<vmem>>
          %dma_wait3A_317 = tpu.memref_squeeze %dma_wait3A_316 : memref<1x16x128xi32, #tpu.memory_space<vmem>> -> memref<16x128xi32, #tpu.memory_space<vmem>>
          %dma_wait3A_318 = arith.constant 0 : i32
          %dma_wait3A_319 = tpu.memref_slice %arg2[%arg0, %add3A_306, %dma_wait3A_318] : memref<2x1280x128xi32, #tpu.memory_space<hbm>> -> memref<1x16x128xi32, #tpu.memory_space<hbm>>
          %dma_wait3A_320 = tpu.memref_squeeze %dma_wait3A_319 : memref<1x16x128xi32, #tpu.memory_space<hbm>> -> memref<16x128xi32, #tpu.memory_space<hbm>>
          tpu.wait_dma2 semaphore(%arg15 : memref<!tpu.dma_semaphore, #tpu.memory_space<semaphore_mem>>) src(%dma_wait3A_320 : memref<16x128xi32, #tpu.memory_space<hbm>>) dst(%dma_wait3A_317 : memref<16x128xi32, #tpu.memory_space<vmem>>)
          %dma_wait3A_321 = arith.constant 0 : i32
          %dma_wait3A_322 = arith.constant 0 : i32
          %dma_wait3A_323 = tpu.memref_slice %arg9[%select_n3A_156, %dma_wait3A_321, %dma_wait3A_322] : memref<2x16x128xi32, #tpu.memory_space<vmem>> -> memref<1x16x128xi32, #tpu.memory_space<vmem>>
          %dma_wait3A_324 = tpu.memref_squeeze %dma_wait3A_323 : memref<1x16x128xi32, #tpu.memory_space<vmem>> -> memref<16x128xi32, #tpu.memory_space<vmem>>
          %dma_wait3A_325 = arith.constant 0 : i32
          %dma_wait3A_326 = tpu.memref_slice %arg3[%add3A_306, %dma_wait3A_325] : memref<1280x128xi32, #tpu.memory_space<hbm>> -> memref<16x128xi32, #tpu.memory_space<hbm>>
          %dma_wait3A_327 = arith.constant 0 : i32
          %dma_wait3A_328 = arith.constant 0 : i32
          %dma_wait3A_329 = tpu.memref_slice %arg9[%select_n3A_156, %dma_wait3A_327, %dma_wait3A_328] : memref<2x16x128xi32, #tpu.memory_space<vmem>> -> memref<1x16x128xi32, #tpu.memory_space<vmem>>
          %dma_wait3A_330 = tpu.memref_squeeze %dma_wait3A_329 : memref<1x16x128xi32, #tpu.memory_space<vmem>> -> memref<16x128xi32, #tpu.memory_space<vmem>>
          %dma_wait3A_331 = arith.constant 0 : i32
          %dma_wait3A_332 = tpu.memref_slice %arg3[%add3A_306, %dma_wait3A_331] : memref<1280x128xi32, #tpu.memory_space<hbm>> -> memref<16x128xi32, #tpu.memory_space<hbm>>
          tpu.wait_dma2 semaphore(%arg16 : memref<!tpu.dma_semaphore, #tpu.memory_space<semaphore_mem>>) src(%dma_wait3A_332 : memref<16x128xi32, #tpu.memory_space<hbm>>) dst(%dma_wait3A_330 : memref<16x128xi32, #tpu.memory_space<vmem>>)
        } else {
        }
        %dma_start3A_293 = arith.constant 1 : i32
        %dma_start3A_294 = arith.constant 0 : i32
        %dma_start3A_295 = arith.constant 0 : i32
        %dma_start3A_296 = tpu.memref_slice %arg10[%dma_start3A_293, %dma_start3A_294, %dma_start3A_295] : memref<2x128x128xf32, #tpu.memory_space<vmem>> -> memref<1x128x128xf32, #tpu.memory_space<vmem>>
        %dma_start3A_297 = tpu.memref_squeeze %dma_start3A_296 : memref<1x128x128xf32, #tpu.memory_space<vmem>> -> memref<128x128xf32, #tpu.memory_space<vmem>>
        %dma_start3A_298 = arith.constant 0 : i32
        %dma_start3A_299 = tpu.memref_slice %arg8[%select_n3A_156, %sub3A_140, %dma_start3A_298] : memref<2x16x128xi32, #tpu.memory_space<vmem>> -> memref<1x1x128xi32, #tpu.memory_space<vmem>>
        %dma_start3A_300 = tpu.memref_squeeze %dma_start3A_299 : memref<1x1x128xi32, #tpu.memory_space<vmem>> -> memref<128xi32, #tpu.memory_space<vmem>>
        %dma_start3A_301 = arith.constant 0 : i32
        %dma_start3A_302 = arith.constant 0 : i32
        %dma_start3A_303 = tpu.memref_slice %arg4[%dma_start3A_301, %dma_start3A_302] : memref<20000x128xf32, #tpu.memory_space<hbm>> -> memref<20000x128xf32, #tpu.memory_space<hbm>>
        tpu.enqueue_indirect_dma source(%dma_start3A_303 : memref<20000x128xf32, #tpu.memory_space<hbm>>) target(%dma_start3A_297 : memref<128x128xf32, #tpu.memory_space<vmem>>) offsets(%dma_start3A_300 : memref<128xi32, #tpu.memory_space<vmem>>) semaphore(%arg12 : memref<!tpu.dma_semaphore, #tpu.memory_space<semaphore_mem>>)
      } else {
      }
      %mul3A_162 = arith.constant 2 : i32
      %mul3A_163 = arith.muli %mul3A_162, %scan3A_47 : i32
      %add3A_164 = arith.constant 1 : i32
      %add3A_165 = arith.addi %mul3A_163, %add3A_164 : i32
      %jit3A_166 = arith.constant 16 : i32
      %div3A_167 = arith.divsi %add3A_165, %jit3A_166 : i32
      %sign3A_168 = arith.constant 0 : i32
      %sign3A_169 = arith.cmpi sgt, %add3A_165, %sign3A_168 : i32
      %sign3A_170 = arith.extui %sign3A_169 : i1 to i32
      %sign3A_171 = arith.constant 0 : i32
      %sign3A_172 = arith.cmpi slt, %add3A_165, %sign3A_171 : i32
      %sign3A_173 = arith.extui %sign3A_172 : i1 to i32
      %sign3A_174 = arith.subi %sign3A_170, %sign3A_173 : i32
      %sign3A_175 = arith.constant 0 : i32
      %sign3A_176 = arith.cmpi sgt, %jit3A_166, %sign3A_175 : i32
      %sign3A_177 = arith.extui %sign3A_176 : i1 to i32
      %sign3A_178 = arith.constant 0 : i32
      %sign3A_179 = arith.cmpi slt, %jit3A_166, %sign3A_178 : i32
      %sign3A_180 = arith.extui %sign3A_179 : i1 to i32
      %sign3A_181 = arith.subi %sign3A_177, %sign3A_180 : i32
      %ne3A_182 = arith.cmpi ne, %sign3A_174, %sign3A_181 : i32
      %rem3A_183 = arith.remsi %add3A_165, %jit3A_166 : i32
      %ne3A_184 = arith.constant 0 : i32
      %ne3A_185 = arith.cmpi ne, %rem3A_183, %ne3A_184 : i32
      %and3A_186 = arith.andi %ne3A_182, %ne3A_185 : i1
      %sub3A_187 = arith.constant 1 : i32
      %sub3A_188 = arith.subi %div3A_167, %sub3A_187 : i32
      %select_n3A_189 = arith.select %and3A_186, %sub3A_188, %div3A_167 : i32
      %mul3A_190 = arith.constant 16 : i32
      %mul3A_191 = arith.muli %select_n3A_189, %mul3A_190 : i32
      %sub3A_192 = arith.subi %add3A_165, %mul3A_191 : i32
      %jit3A_193 = arith.constant 2 : i32
      %eq3A_194 = arith.constant 0 : i32
      %eq3A_195 = arith.cmpi eq, %jit3A_193, %eq3A_194 : i32
      %jit3A_196 = arith.constant 1 : i32
      %select_n3A_197 = arith.select %eq3A_195, %jit3A_196, %jit3A_193 : i32
      %rem3A_198 = arith.remsi %select_n3A_189, %select_n3A_197 : i32
      %ne3A_199 = arith.constant 0 : i32
      %ne3A_200 = arith.cmpi ne, %rem3A_198, %ne3A_199 : i32
      %lt3A_201 = arith.constant 0 : i32
      %lt3A_202 = arith.cmpi slt, %rem3A_198, %lt3A_201 : i32
      %lt3A_203 = arith.constant 0 : i32
      %lt3A_204 = arith.cmpi slt, %select_n3A_197, %lt3A_203 : i32
      %ne3A_205 = arith.xori %lt3A_202, %lt3A_204 : i1
      %and3A_206 = arith.andi %ne3A_205, %ne3A_200 : i1
      %add3A_207 = arith.addi %rem3A_198, %select_n3A_197 : i32
      %select_n3A_208 = arith.select %and3A_206, %add3A_207, %rem3A_198 : i32
      %dma_wait3A_209 = arith.constant 1 : i32
      %dma_wait3A_210 = arith.constant 0 : i32
      %dma_wait3A_211 = arith.constant 0 : i32
      %dma_wait3A_212 = tpu.memref_slice %arg10[%dma_wait3A_209, %dma_wait3A_210, %dma_wait3A_211] : memref<2x128x128xf32, #tpu.memory_space<vmem>> -> memref<1x128x128xf32, #tpu.memory_space<vmem>>
      %dma_wait3A_213 = tpu.memref_squeeze %dma_wait3A_212 : memref<1x128x128xf32, #tpu.memory_space<vmem>> -> memref<128x128xf32, #tpu.memory_space<vmem>>
      %dma_wait3A_214 = arith.constant 0 : i32
      %dma_wait3A_215 = tpu.memref_slice %arg8[%select_n3A_208, %sub3A_192, %dma_wait3A_214] : memref<2x16x128xi32, #tpu.memory_space<vmem>> -> memref<1x1x128xi32, #tpu.memory_space<vmem>>
      %dma_wait3A_216 = tpu.memref_squeeze %dma_wait3A_215 : memref<1x1x128xi32, #tpu.memory_space<vmem>> -> memref<128xi32, #tpu.memory_space<vmem>>
      %dma_wait3A_217 = arith.constant 0 : i32
      %dma_wait3A_218 = arith.constant 0 : i32
      %dma_wait3A_219 = tpu.memref_slice %arg4[%dma_wait3A_217, %dma_wait3A_218] : memref<20000x128xf32, #tpu.memory_space<hbm>> -> memref<20000x128xf32, #tpu.memory_space<hbm>>
      tpu.wait_indirect_dma semaphore(%arg12 : memref<!tpu.dma_semaphore, #tpu.memory_space<semaphore_mem>>) src(%dma_wait3A_219 : memref<20000x128xf32, #tpu.memory_space<hbm>>) dst(%dma_wait3A_213 : memref<128x128xf32, #tpu.memory_space<vmem>>)
      %dma_start3A_220 = arith.constant 1 : i32
      %dma_start3A_221 = arith.constant 0 : i32
      %dma_start3A_222 = arith.constant 0 : i32
      %dma_start3A_223 = tpu.memref_slice %arg10[%dma_start3A_220, %dma_start3A_221, %dma_start3A_222] : memref<2x128x128xf32, #tpu.memory_space<vmem>> -> memref<1x128x128xf32, #tpu.memory_space<vmem>>
      %dma_start3A_224 = tpu.memref_squeeze %dma_start3A_223 : memref<1x128x128xf32, #tpu.memory_space<vmem>> -> memref<128x128xf32, #tpu.memory_space<vmem>>
      %dma_start3A_225 = arith.constant 0 : i32
      %dma_start3A_226 = tpu.memref_slice %arg9[%select_n3A_208, %sub3A_192, %dma_start3A_225] : memref<2x16x128xi32, #tpu.memory_space<vmem>> -> memref<1x1x128xi32, #tpu.memory_space<vmem>>
      %dma_start3A_227 = tpu.memref_squeeze %dma_start3A_226 : memref<1x1x128xi32, #tpu.memory_space<vmem>> -> memref<128xi32, #tpu.memory_space<vmem>>
      %dma_start3A_228 = arith.constant 0 : i32
      %dma_start3A_229 = arith.constant 0 : i32
      %dma_start3A_230 = tpu.memref_slice %arg7[%dma_start3A_228, %dma_start3A_229] : memref<10112x128xf32, #tpu.memory_space<vmem_shared>> -> memref<10112x128xf32, #tpu.memory_space<vmem_shared>>
      tpu.enqueue_indirect_dma source(%dma_start3A_224 : memref<128x128xf32, #tpu.memory_space<vmem>>) target(%dma_start3A_230 : memref<10112x128xf32, #tpu.memory_space<vmem_shared>>) offsets(%dma_start3A_227 : memref<128xi32, #tpu.memory_space<vmem>>) semaphore(%arg14 : memref<!tpu.dma_semaphore, #tpu.memory_space<semaphore_mem>>) {add = true}
      %add3A_231 = arith.constant 1 : i32
      %add3A_232 = arith.addi %add3A_165, %add3A_231 : i32
      %jit3A_233 = arith.constant 16 : i32
      %div3A_234 = arith.divsi %add3A_232, %jit3A_233 : i32
      %sign3A_235 = arith.constant 0 : i32
      %sign3A_236 = arith.cmpi sgt, %add3A_232, %sign3A_235 : i32
      %sign3A_237 = arith.extui %sign3A_236 : i1 to i32
      %sign3A_238 = arith.constant 0 : i32
      %sign3A_239 = arith.cmpi slt, %add3A_232, %sign3A_238 : i32
      %sign3A_240 = arith.extui %sign3A_239 : i1 to i32
      %sign3A_241 = arith.subi %sign3A_237, %sign3A_240 : i32
      %sign3A_242 = arith.constant 0 : i32
      %sign3A_243 = arith.cmpi sgt, %jit3A_233, %sign3A_242 : i32
      %sign3A_244 = arith.extui %sign3A_243 : i1 to i32
      %sign3A_245 = arith.constant 0 : i32
      %sign3A_246 = arith.cmpi slt, %jit3A_233, %sign3A_245 : i32
      %sign3A_247 = arith.extui %sign3A_246 : i1 to i32
      %sign3A_248 = arith.subi %sign3A_244, %sign3A_247 : i32
      %ne3A_249 = arith.cmpi ne, %sign3A_241, %sign3A_248 : i32
      %rem3A_250 = arith.remsi %add3A_232, %jit3A_233 : i32
      %ne3A_251 = arith.constant 0 : i32
      %ne3A_252 = arith.cmpi ne, %rem3A_250, %ne3A_251 : i32
      %and3A_253 = arith.andi %ne3A_249, %ne3A_252 : i1
      %sub3A_254 = arith.constant 1 : i32
      %sub3A_255 = arith.subi %div3A_234, %sub3A_254 : i32
      %select_n3A_256 = arith.select %and3A_253, %sub3A_255, %div3A_234 : i32
      %mul3A_257 = arith.constant 16 : i32
      %mul3A_258 = arith.muli %select_n3A_256, %mul3A_257 : i32
      %sub3A_259 = arith.subi %add3A_232, %mul3A_258 : i32
      %jit3A_260 = arith.constant 2 : i32
      %eq3A_261 = arith.constant 0 : i32
      %eq3A_262 = arith.cmpi eq, %jit3A_260, %eq3A_261 : i32
      %jit3A_263 = arith.constant 1 : i32
      %select_n3A_264 = arith.select %eq3A_262, %jit3A_263, %jit3A_260 : i32
      %rem3A_265 = arith.remsi %select_n3A_256, %select_n3A_264 : i32
      %ne3A_266 = arith.constant 0 : i32
      %ne3A_267 = arith.cmpi ne, %rem3A_265, %ne3A_266 : i32
      %lt3A_268 = arith.constant 0 : i32
      %lt3A_269 = arith.cmpi slt, %rem3A_265, %lt3A_268 : i32
      %lt3A_270 = arith.constant 0 : i32
      %lt3A_271 = arith.cmpi slt, %select_n3A_264, %lt3A_270 : i32
      %ne3A_272 = arith.xori %lt3A_269, %lt3A_271 : i1
      %and3A_273 = arith.andi %ne3A_272, %ne3A_267 : i1
      %add3A_274 = arith.addi %rem3A_265, %select_n3A_264 : i32
      %select_n3A_275 = arith.select %and3A_273, %add3A_274, %rem3A_265 : i32
      %lt3A_276 = arith.constant 80 : i32
      %lt3A_277 = arith.cmpi slt, %add3A_232, %lt3A_276 : i32
      %convert_element_type3A_278 = arith.extui %lt3A_277 : i1 to i32
      %cond3A_279 = arith.constant 0 : i32
      %cond3A_280 = arith.cmpi ne, %convert_element_type3A_278, %cond3A_279 : i32
      scf.if %cond3A_280 {
        %ge3A = arith.constant 2 : i32
        %ge3A_281 = arith.cmpi sge, %add3A_232, %ge3A : i32
        %convert_element_type3A_282 = arith.extui %ge3A_281 : i1 to i32
        %cond3A_283 = arith.constant 0 : i32
        %cond3A_284 = arith.cmpi ne, %convert_element_type3A_282, %cond3A_283 : i32
        scf.if %cond3A_284 {
          %dma_wait3A_304 = arith.constant 0 : i32
          %dma_wait3A_305 = arith.constant 0 : i32
          %dma_wait3A_306 = arith.constant 0 : i32
          %dma_wait3A_307 = arith.constant 0 : i32
          %dma_wait3A_308 = arith.constant 0 : i32
          %dma_wait3A_309 = tpu.memref_slice %arg10[%dma_wait3A_304, %dma_wait3A_307, %dma_wait3A_308] : memref<2x128x128xf32, #tpu.memory_space<vmem>> -> memref<1x128x128xf32, #tpu.memory_space<vmem>>
          %dma_wait3A_310 = tpu.memref_squeeze %dma_wait3A_309 : memref<1x128x128xf32, #tpu.memory_space<vmem>> -> memref<128x128xf32, #tpu.memory_space<vmem>>
          %dma_wait3A_311 = arith.constant 0 : i32
          %dma_wait3A_312 = tpu.memref_slice %arg9[%dma_wait3A_305, %dma_wait3A_306, %dma_wait3A_311] : memref<2x16x128xi32, #tpu.memory_space<vmem>> -> memref<1x1x128xi32, #tpu.memory_space<vmem>>
          %dma_wait3A_313 = tpu.memref_squeeze %dma_wait3A_312 : memref<1x1x128xi32, #tpu.memory_space<vmem>> -> memref<128xi32, #tpu.memory_space<vmem>>
          %dma_wait3A_314 = arith.constant 0 : i32
          %dma_wait3A_315 = arith.constant 0 : i32
          %dma_wait3A_316 = tpu.memref_slice %arg7[%dma_wait3A_314, %dma_wait3A_315] : memref<10112x128xf32, #tpu.memory_space<vmem_shared>> -> memref<10112x128xf32, #tpu.memory_space<vmem_shared>>
          tpu.wait_indirect_dma semaphore(%arg13 : memref<!tpu.dma_semaphore, #tpu.memory_space<semaphore_mem>>) src(%dma_wait3A_310 : memref<128x128xf32, #tpu.memory_space<vmem>>) dst(%dma_wait3A_316 : memref<10112x128xf32, #tpu.memory_space<vmem_shared>>)
        } else {
        }
        %eq3A_285 = arith.constant 0 : i32
        %eq3A_286 = arith.cmpi eq, %sub3A_259, %eq3A_285 : i32
        %ge3A_287 = arith.constant 1 : i32
        %ge3A_288 = arith.cmpi sge, %select_n3A_256, %ge3A_287 : i32
        %and3A_289 = arith.andi %eq3A_286, %ge3A_288 : i1
        %convert_element_type3A_290 = arith.extui %and3A_289 : i1 to i32
        %cond3A_291 = arith.constant 0 : i32
        %cond3A_292 = arith.cmpi ne, %convert_element_type3A_290, %cond3A_291 : i32
        scf.if %cond3A_292 {
          %mul3A_304 = arith.constant 16 : i32
          %mul3A_305 = arith.muli %select_n3A_256, %mul3A_304 : i32
          %add3A_306 = arith.addi %mul3A_2, %mul3A_305 : i32
          %dma_wait3A_307 = arith.constant 0 : i32
          %dma_wait3A_308 = arith.constant 0 : i32
          %dma_wait3A_309 = tpu.memref_slice %arg8[%select_n3A_275, %dma_wait3A_307, %dma_wait3A_308] : memref<2x16x128xi32, #tpu.memory_space<vmem>> -> memref<1x16x128xi32, #tpu.memory_space<vmem>>
          %dma_wait3A_310 = tpu.memref_squeeze %dma_wait3A_309 : memref<1x16x128xi32, #tpu.memory_space<vmem>> -> memref<16x128xi32, #tpu.memory_space<vmem>>
          %dma_wait3A_311 = arith.constant 0 : i32
          %dma_wait3A_312 = tpu.memref_slice %arg2[%arg0, %add3A_306, %dma_wait3A_311] : memref<2x1280x128xi32, #tpu.memory_space<hbm>> -> memref<1x16x128xi32, #tpu.memory_space<hbm>>
          %dma_wait3A_313 = tpu.memref_squeeze %dma_wait3A_312 : memref<1x16x128xi32, #tpu.memory_space<hbm>> -> memref<16x128xi32, #tpu.memory_space<hbm>>
          %dma_wait3A_314 = arith.constant 0 : i32
          %dma_wait3A_315 = arith.constant 0 : i32
          %dma_wait3A_316 = tpu.memref_slice %arg8[%select_n3A_275, %dma_wait3A_314, %dma_wait3A_315] : memref<2x16x128xi32, #tpu.memory_space<vmem>> -> memref<1x16x128xi32, #tpu.memory_space<vmem>>
          %dma_wait3A_317 = tpu.memref_squeeze %dma_wait3A_316 : memref<1x16x128xi32, #tpu.memory_space<vmem>> -> memref<16x128xi32, #tpu.memory_space<vmem>>
          %dma_wait3A_318 = arith.constant 0 : i32
          %dma_wait3A_319 = tpu.memref_slice %arg2[%arg0, %add3A_306, %dma_wait3A_318] : memref<2x1280x128xi32, #tpu.memory_space<hbm>> -> memref<1x16x128xi32, #tpu.memory_space<hbm>>
          %dma_wait3A_320 = tpu.memref_squeeze %dma_wait3A_319 : memref<1x16x128xi32, #tpu.memory_space<hbm>> -> memref<16x128xi32, #tpu.memory_space<hbm>>
          tpu.wait_dma2 semaphore(%arg15 : memref<!tpu.dma_semaphore, #tpu.memory_space<semaphore_mem>>) src(%dma_wait3A_320 : memref<16x128xi32, #tpu.memory_space<hbm>>) dst(%dma_wait3A_317 : memref<16x128xi32, #tpu.memory_space<vmem>>)
          %dma_wait3A_321 = arith.constant 0 : i32
          %dma_wait3A_322 = arith.constant 0 : i32
          %dma_wait3A_323 = tpu.memref_slice %arg9[%select_n3A_275, %dma_wait3A_321, %dma_wait3A_322] : memref<2x16x128xi32, #tpu.memory_space<vmem>> -> memref<1x16x128xi32, #tpu.memory_space<vmem>>
          %dma_wait3A_324 = tpu.memref_squeeze %dma_wait3A_323 : memref<1x16x128xi32, #tpu.memory_space<vmem>> -> memref<16x128xi32, #tpu.memory_space<vmem>>
          %dma_wait3A_325 = arith.constant 0 : i32
          %dma_wait3A_326 = tpu.memref_slice %arg3[%add3A_306, %dma_wait3A_325] : memref<1280x128xi32, #tpu.memory_space<hbm>> -> memref<16x128xi32, #tpu.memory_space<hbm>>
          %dma_wait3A_327 = arith.constant 0 : i32
          %dma_wait3A_328 = arith.constant 0 : i32
          %dma_wait3A_329 = tpu.memref_slice %arg9[%select_n3A_275, %dma_wait3A_327, %dma_wait3A_328] : memref<2x16x128xi32, #tpu.memory_space<vmem>> -> memref<1x16x128xi32, #tpu.memory_space<vmem>>
          %dma_wait3A_330 = tpu.memref_squeeze %dma_wait3A_329 : memref<1x16x128xi32, #tpu.memory_space<vmem>> -> memref<16x128xi32, #tpu.memory_space<vmem>>
          %dma_wait3A_331 = arith.constant 0 : i32
          %dma_wait3A_332 = tpu.memref_slice %arg3[%add3A_306, %dma_wait3A_331] : memref<1280x128xi32, #tpu.memory_space<hbm>> -> memref<16x128xi32, #tpu.memory_space<hbm>>
          tpu.wait_dma2 semaphore(%arg16 : memref<!tpu.dma_semaphore, #tpu.memory_space<semaphore_mem>>) src(%dma_wait3A_332 : memref<16x128xi32, #tpu.memory_space<hbm>>) dst(%dma_wait3A_330 : memref<16x128xi32, #tpu.memory_space<vmem>>)
        } else {
        }
        %dma_start3A_293 = arith.constant 0 : i32
        %dma_start3A_294 = arith.constant 0 : i32
        %dma_start3A_295 = arith.constant 0 : i32
        %dma_start3A_296 = tpu.memref_slice %arg10[%dma_start3A_293, %dma_start3A_294, %dma_start3A_295] : memref<2x128x128xf32, #tpu.memory_space<vmem>> -> memref<1x128x128xf32, #tpu.memory_space<vmem>>
        %dma_start3A_297 = tpu.memref_squeeze %dma_start3A_296 : memref<1x128x128xf32, #tpu.memory_space<vmem>> -> memref<128x128xf32, #tpu.memory_space<vmem>>
        %dma_start3A_298 = arith.constant 0 : i32
        %dma_start3A_299 = tpu.memref_slice %arg8[%select_n3A_275, %sub3A_259, %dma_start3A_298] : memref<2x16x128xi32, #tpu.memory_space<vmem>> -> memref<1x1x128xi32, #tpu.memory_space<vmem>>
        %dma_start3A_300 = tpu.memref_squeeze %dma_start3A_299 : memref<1x1x128xi32, #tpu.memory_space<vmem>> -> memref<128xi32, #tpu.memory_space<vmem>>
        %dma_start3A_301 = arith.constant 0 : i32
        %dma_start3A_302 = arith.constant 0 : i32
        %dma_start3A_303 = tpu.memref_slice %arg4[%dma_start3A_301, %dma_start3A_302] : memref<20000x128xf32, #tpu.memory_space<hbm>> -> memref<20000x128xf32, #tpu.memory_space<hbm>>
        tpu.enqueue_indirect_dma source(%dma_start3A_303 : memref<20000x128xf32, #tpu.memory_space<hbm>>) target(%dma_start3A_297 : memref<128x128xf32, #tpu.memory_space<vmem>>) offsets(%dma_start3A_300 : memref<128xi32, #tpu.memory_space<vmem>>) semaphore(%arg11 : memref<!tpu.dma_semaphore, #tpu.memory_space<semaphore_mem>>)
      } else {
      }
    }
    %scan3A_20 = arith.constant 40 : i32
    %dma_wait3A = arith.constant 0 : i32
    %dma_wait3A_21 = arith.constant 0 : i32
    %dma_wait3A_22 = arith.constant 0 : i32
    %dma_wait3A_23 = arith.constant 0 : i32
    %dma_wait3A_24 = arith.constant 0 : i32
    %dma_wait3A_25 = tpu.memref_slice %arg10[%dma_wait3A, %dma_wait3A_23, %dma_wait3A_24] : memref<2x128x128xf32, #tpu.memory_space<vmem>> -> memref<1x128x128xf32, #tpu.memory_space<vmem>>
    %dma_wait3A_26 = tpu.memref_squeeze %dma_wait3A_25 : memref<1x128x128xf32, #tpu.memory_space<vmem>> -> memref<128x128xf32, #tpu.memory_space<vmem>>
    %dma_wait3A_27 = arith.constant 0 : i32
    %dma_wait3A_28 = tpu.memref_slice %arg9[%dma_wait3A_21, %dma_wait3A_22, %dma_wait3A_27] : memref<2x16x128xi32, #tpu.memory_space<vmem>> -> memref<1x1x128xi32, #tpu.memory_space<vmem>>
    %dma_wait3A_29 = tpu.memref_squeeze %dma_wait3A_28 : memref<1x1x128xi32, #tpu.memory_space<vmem>> -> memref<128xi32, #tpu.memory_space<vmem>>
    %dma_wait3A_30 = arith.constant 0 : i32
    %dma_wait3A_31 = arith.constant 0 : i32
    %dma_wait3A_32 = tpu.memref_slice %arg7[%dma_wait3A_30, %dma_wait3A_31] : memref<10112x128xf32, #tpu.memory_space<vmem_shared>> -> memref<10112x128xf32, #tpu.memory_space<vmem_shared>>
    tpu.wait_indirect_dma semaphore(%arg13 : memref<!tpu.dma_semaphore, #tpu.memory_space<semaphore_mem>>) src(%dma_wait3A_26 : memref<128x128xf32, #tpu.memory_space<vmem>>) dst(%dma_wait3A_32 : memref<10112x128xf32, #tpu.memory_space<vmem_shared>>)
    %dma_wait3A_33 = arith.constant 1 : i32
    %dma_wait3A_34 = arith.constant 0 : i32
    %dma_wait3A_35 = arith.constant 0 : i32
    %dma_wait3A_36 = arith.constant 0 : i32
    %dma_wait3A_37 = arith.constant 0 : i32
    %dma_wait3A_38 = tpu.memref_slice %arg10[%dma_wait3A_33, %dma_wait3A_36, %dma_wait3A_37] : memref<2x128x128xf32, #tpu.memory_space<vmem>> -> memref<1x128x128xf32, #tpu.memory_space<vmem>>
    %dma_wait3A_39 = tpu.memref_squeeze %dma_wait3A_38 : memref<1x128x128xf32, #tpu.memory_space<vmem>> -> memref<128x128xf32, #tpu.memory_space<vmem>>
    %dma_wait3A_40 = arith.constant 0 : i32
    %dma_wait3A_41 = tpu.memref_slice %arg9[%dma_wait3A_34, %dma_wait3A_35, %dma_wait3A_40] : memref<2x16x128xi32, #tpu.memory_space<vmem>> -> memref<1x1x128xi32, #tpu.memory_space<vmem>>
    %dma_wait3A_42 = tpu.memref_squeeze %dma_wait3A_41 : memref<1x1x128xi32, #tpu.memory_space<vmem>> -> memref<128xi32, #tpu.memory_space<vmem>>
    %dma_wait3A_43 = arith.constant 0 : i32
    %dma_wait3A_44 = arith.constant 0 : i32
    %dma_wait3A_45 = tpu.memref_slice %arg7[%dma_wait3A_43, %dma_wait3A_44] : memref<10112x128xf32, #tpu.memory_space<vmem_shared>> -> memref<10112x128xf32, #tpu.memory_space<vmem_shared>>
    tpu.wait_indirect_dma semaphore(%arg14 : memref<!tpu.dma_semaphore, #tpu.memory_space<semaphore_mem>>) src(%dma_wait3A_39 : memref<128x128xf32, #tpu.memory_space<vmem>>) dst(%dma_wait3A_45 : memref<10112x128xf32, #tpu.memory_space<vmem_shared>>)
    %barrier3A_46 = arith.constant 0 : index
    tpu.barrier barrier_id(%barrier3A_46)
    "tpu.region"() ({
      %run_scoped3A_47 = tpu.sem_alloc : memref<!tpu.dma_semaphore, #tpu.memory_space<semaphore_mem>>
      %dma_start3A_48 = arith.constant 0 : i32
      %dma_start3A_49 = tpu.memref_slice %arg6[%arg0, %mul3A_0, %dma_start3A_48] : memref<2x10112x128xf32, #tpu.memory_space<hbm>> -> memref<1x632x128xf32, #tpu.memory_space<hbm>>
      %dma_start3A_50 = tpu.memref_squeeze %dma_start3A_49 : memref<1x632x128xf32, #tpu.memory_space<hbm>> -> memref<632x128xf32, #tpu.memory_space<hbm>>
      %dma_start3A_51 = arith.constant 0 : i32
      %dma_start3A_52 = tpu.memref_slice %arg7[%mul3A_0, %dma_start3A_51] : memref<10112x128xf32, #tpu.memory_space<vmem_shared>> -> memref<632x128xf32, #tpu.memory_space<vmem_shared>>
      tpu.enqueue_dma source(%dma_start3A_52 : memref<632x128xf32, #tpu.memory_space<vmem_shared>>) target(%dma_start3A_50 : memref<632x128xf32, #tpu.memory_space<hbm>>) target_semaphore(%run_scoped3A_47 : memref<!tpu.dma_semaphore, #tpu.memory_space<semaphore_mem>>)
      %dma_wait3A_53 = arith.constant 0 : i32
      %dma_wait3A_54 = tpu.memref_slice %arg6[%arg0, %mul3A_0, %dma_wait3A_53] : memref<2x10112x128xf32, #tpu.memory_space<hbm>> -> memref<1x632x128xf32, #tpu.memory_space<hbm>>
      %dma_wait3A_55 = tpu.memref_squeeze %dma_wait3A_54 : memref<1x632x128xf32, #tpu.memory_space<hbm>> -> memref<632x128xf32, #tpu.memory_space<hbm>>
      %dma_wait3A_56 = arith.constant 0 : i32
      %dma_wait3A_57 = tpu.memref_slice %arg7[%mul3A_0, %dma_wait3A_56] : memref<10112x128xf32, #tpu.memory_space<vmem_shared>> -> memref<632x128xf32, #tpu.memory_space<vmem_shared>>
      tpu.wait_dma2 semaphore(%run_scoped3A_47 : memref<!tpu.dma_semaphore, #tpu.memory_space<semaphore_mem>>) src(%dma_wait3A_57 : memref<632x128xf32, #tpu.memory_space<vmem_shared>>) dst(%dma_wait3A_55 : memref<632x128xf32, #tpu.memory_space<hbm>>)
      tpu.yield
    }) : () -> ()
    return
  }
}

module attributes {stable_mosaic.version = 14 : i64} {
  func.func @_tc_norm_body(%arg0: memref<2x10112x128xf32, #tpu.memory_space<vmem>>, %arg1: memref<10000x256xf32, #tpu.memory_space<vmem>>, %arg2: memref<2x10000x128xf32, #tpu.memory_space<vmem>>, %arg3: memref<10000x1xf32, #tpu.memory_space<vmem>>) attributes {dimension_semantics = [], scalar_prefetch = 0 : i64, scratch_operands = 0 : i64, tpu.core_type = #tpu.core_type<tc>} {
    %get3A = arith.constant 0 : index
    %get3A_0 = arith.constant 0 : index
    %get3A_1 = arith.constant 0 : index
    %get3A_2 = vector.load %arg0[%get3A, %get3A_0, %get3A_1] : memref<2x10112x128xf32, #tpu.memory_space<vmem>>, vector<2x10112x128xf32>
    %slice3A = vector.extract_strided_slice %get3A_2 {offsets = [0, 0, 0], sizes = [1, 10112, 128], strides = [1, 1, 1]} : vector<2x10112x128xf32> to vector<1x10112x128xf32>
    %squeeze3A = vector.shape_cast %slice3A : vector<1x10112x128xf32> to vector<10112x128xf32>
    %slice3A_3 = vector.extract_strided_slice %get3A_2 {offsets = [1, 0, 0], sizes = [1, 10112, 128], strides = [1, 1, 1]} : vector<2x10112x128xf32> to vector<1x10112x128xf32>
    %squeeze3A_4 = vector.shape_cast %slice3A_3 : vector<1x10112x128xf32> to vector<10112x128xf32>
    %add3A = arith.addf %squeeze3A, %squeeze3A_4 : vector<10112x128xf32>
    %reduce_sum3A = arith.constant dense<0.000000e+00> : vector<10112xf32>
    %reduce_sum3A_5 = vector.multi_reduction <add>, %add3A, %reduce_sum3A [1] : vector<10112x128xf32> to vector<10112xf32>
    %broadcast_in_dim3A = vector.shape_cast %reduce_sum3A_5 : vector<10112xf32> to vector<10112x1xf32>
    %mul3A = arith.constant 7.812500e-03 : f32
    %mul3A_6 = vector.broadcast %mul3A : f32 to vector<10112x1xf32>
    %mul3A_7 = arith.mulf %broadcast_in_dim3A, %mul3A_6 : vector<10112x1xf32>
    %add3A_8 = arith.constant 1.000000e+00 : f32
    %add3A_9 = vector.broadcast %add3A_8 : f32 to vector<10112x1xf32>
    %add3A_10 = arith.addf %mul3A_7, %add3A_9 : vector<10112x1xf32>
    %rsqrt3A = math.rsqrt %add3A_10 : vector<10112x1xf32>
    %slice3A_11 = vector.extract_strided_slice %rsqrt3A {offsets = [0, 0], sizes = [10000, 1], strides = [1, 1]} : vector<10112x1xf32> to vector<10000x1xf32>
    %get3A_12 = arith.constant 0 : index
    %get3A_13 = arith.constant 0 : index
    %get3A_14 = vector.load %arg1[%get3A_12, %get3A_13] : memref<10000x256xf32, #tpu.memory_space<vmem>>, vector<10000x256xf32>
    %slice3A_15 = vector.extract_strided_slice %get3A_14 {offsets = [0, 0], sizes = [10000, 128], strides = [1, 1]} : vector<10000x256xf32> to vector<10000x128xf32>
    %mul3A_16 = vector.broadcast %slice3A_11 : vector<10000x1xf32> to vector<10000x128xf32>
    %mul3A_17 = arith.mulf %slice3A_15, %mul3A_16 : vector<10000x128xf32>
    %swap3A = arith.constant 0 : index
    %swap3A_18 = arith.constant 0 : index
    %swap3A_19 = arith.constant 0 : index
    %swap3A_20 = vector.load %arg2[%swap3A, %swap3A_18, %swap3A_19] : memref<2x10000x128xf32, #tpu.memory_space<vmem>>, vector<1x10000x128xf32>
    %swap3A_21 = vector.shape_cast %swap3A_20 : vector<1x10000x128xf32> to vector<10000x128xf32>
    %swap3A_22 = vector.shape_cast %mul3A_17 : vector<10000x128xf32> to vector<1x10000x128xf32>
    tpu.vector_store %arg2[%swap3A, %swap3A_18, %swap3A_19], %swap3A_22 {strides = array<i32>} : memref<2x10000x128xf32, #tpu.memory_space<vmem>>, vector<1x10000x128xf32>,
    %slice3A_23 = vector.extract_strided_slice %get3A_14 {offsets = [0, 128], sizes = [10000, 128], strides = [1, 1]} : vector<10000x256xf32> to vector<10000x128xf32>
    %mul3A_24 = vector.broadcast %slice3A_11 : vector<10000x1xf32> to vector<10000x128xf32>
    %mul3A_25 = arith.mulf %slice3A_23, %mul3A_24 : vector<10000x128xf32>
    %swap3A_26 = arith.constant 1 : index
    %swap3A_27 = arith.constant 0 : index
    %swap3A_28 = arith.constant 0 : index
    %swap3A_29 = vector.load %arg2[%swap3A_26, %swap3A_27, %swap3A_28] : memref<2x10000x128xf32, #tpu.memory_space<vmem>>, vector<1x10000x128xf32>
    %swap3A_30 = vector.shape_cast %swap3A_29 : vector<1x10000x128xf32> to vector<10000x128xf32>
    %swap3A_31 = vector.shape_cast %mul3A_25 : vector<10000x128xf32> to vector<1x10000x128xf32>
    tpu.vector_store %arg2[%swap3A_26, %swap3A_27, %swap3A_28], %swap3A_31 {strides = array<i32>} : memref<2x10000x128xf32, #tpu.memory_space<vmem>>, vector<1x10000x128xf32>,
    %swap3A_32 = arith.constant 0 : index
    %swap3A_33 = arith.constant 0 : index
    %swap3A_34 = vector.load %arg3[%swap3A_32, %swap3A_33] : memref<10000x1xf32, #tpu.memory_space<vmem>>, vector<10000x1xf32>
    tpu.vector_store %arg3[%swap3A_32, %swap3A_33], %slice3A_11 {strides = array<i32>} : memref<10000x1xf32, #tpu.memory_space<vmem>>, vector<10000x1xf32>,
    return
  }
}

module attributes {stable_mosaic.version = 14 : i64} {
  func.func @_tc_head_body(%arg0: i32, %arg1: memref<2x1000x128xf32, #tpu.memory_space<vmem>>, %arg2: memref<2x1000x128xf32, #tpu.memory_space<vmem>>, %arg3: memref<1000x1xf32, #tpu.memory_space<vmem>>, %arg4: memref<256x512xf32, #tpu.memory_space<vmem>>, %arg5: memref<1x512xf32, #tpu.memory_space<vmem>>, %arg6: memref<512x128xf32, #tpu.memory_space<vmem>>, %arg7: memref<1x128xf32, #tpu.memory_space<vmem>>, %arg8: memref<1000x128xf32, #tpu.memory_space<vmem>>) attributes {dimension_semantics = [#tpu.dimension_semantics<arbitrary>], iteration_bounds = array<i64: 10>, scalar_prefetch = 0 : i64, scratch_operands = 0 : i64, tpu.core_type = #tpu.core_type<tc>, window_params = [{transform_indices = @transform_0, window_bounds = array<i64: 2, 1000, 128>}, {transform_indices = @transform_1, window_bounds = array<i64: 2, 1000, 128>}, {transform_indices = @transform_2, window_bounds = array<i64: 1000, 1>}, {pipeline_mode = #tpu.pipeline_mode<synchronous>, transform_indices = @transform_3, window_bounds = array<i64: 256, 512>}, {pipeline_mode = #tpu.pipeline_mode<synchronous>, transform_indices = @transform_4, window_bounds = array<i64: 1, 512>}, {pipeline_mode = #tpu.pipeline_mode<synchronous>, transform_indices = @transform_5, window_bounds = array<i64: 512, 128>}, {pipeline_mode = #tpu.pipeline_mode<synchronous>, transform_indices = @transform_6, window_bounds = array<i64: 1, 128>}, {transform_indices = @transform_7, window_bounds = array<i64: 1000, 128>}]} {
    %get3A = arith.constant 0 : index
    %get3A_0 = arith.constant 0 : index
    %get3A_1 = arith.constant 0 : index
    %get3A_2 = vector.load %arg1[%get3A, %get3A_0, %get3A_1] : memref<2x1000x128xf32, #tpu.memory_space<vmem>>, vector<2x1000x128xf32>
    %get3A_3 = arith.constant 0 : index
    %get3A_4 = arith.constant 0 : index
    %get3A_5 = arith.constant 0 : index
    %get3A_6 = vector.load %arg2[%get3A_3, %get3A_4, %get3A_5] : memref<2x1000x128xf32, #tpu.memory_space<vmem>>, vector<2x1000x128xf32>
    %get3A_7 = arith.constant 0 : index
    %get3A_8 = arith.constant 0 : index
    %get3A_9 = vector.load %arg3[%get3A_7, %get3A_8] : memref<1000x1xf32, #tpu.memory_space<vmem>>, vector<1000x1xf32>
    %slice3A = vector.extract_strided_slice %get3A_2 {offsets = [0, 0, 0], sizes = [1, 1000, 128], strides = [1, 1, 1]} : vector<2x1000x128xf32> to vector<1x1000x128xf32>
    %squeeze3A = vector.shape_cast %slice3A : vector<1x1000x128xf32> to vector<1000x128xf32>
    %slice3A_10 = vector.extract_strided_slice %get3A_6 {offsets = [0, 0, 0], sizes = [1, 1000, 128], strides = [1, 1, 1]} : vector<2x1000x128xf32> to vector<1x1000x128xf32>
    %squeeze3A_11 = vector.shape_cast %slice3A_10 : vector<1x1000x128xf32> to vector<1000x128xf32>
    %add3A = arith.addf %squeeze3A, %squeeze3A_11 : vector<1000x128xf32>
    %slice3A_12 = vector.extract_strided_slice %get3A_2 {offsets = [1, 0, 0], sizes = [1, 1000, 128], strides = [1, 1, 1]} : vector<2x1000x128xf32> to vector<1x1000x128xf32>
    %squeeze3A_13 = vector.shape_cast %slice3A_12 : vector<1x1000x128xf32> to vector<1000x128xf32>
    %slice3A_14 = vector.extract_strided_slice %get3A_6 {offsets = [1, 0, 0], sizes = [1, 1000, 128], strides = [1, 1, 1]} : vector<2x1000x128xf32> to vector<1x1000x128xf32>
    %squeeze3A_15 = vector.shape_cast %slice3A_14 : vector<1x1000x128xf32> to vector<1000x128xf32>
    %add3A_16 = arith.addf %squeeze3A_13, %squeeze3A_15 : vector<1000x128xf32>
    %concatenate3A = tpu.concatenate %add3A, %add3A_16 in 1 : vector<1000x128xf32>, vector<1000x128xf32> -> vector<1000x256xf32>
    %mul3A = vector.broadcast %get3A_9 : vector<1000x1xf32> to vector<1000x256xf32>
    %mul3A_17 = arith.mulf %concatenate3A, %mul3A : vector<1000x256xf32>
    %convert_element_type3A = arith.truncf %mul3A_17 : vector<1000x256xf32> to vector<1000x256xbf16>
    %get3A_18 = arith.constant 0 : index
    %get3A_19 = arith.constant 0 : index
    %get3A_20 = vector.load %arg4[%get3A_18, %get3A_19] : memref<256x512xf32, #tpu.memory_space<vmem>>, vector<256x512xf32>
    %convert_element_type3A_21 = arith.truncf %get3A_20 : vector<256x512xf32> to vector<256x512xbf16>
    %dot_general3A = arith.constant dense<0.000000e+00> : vector<1000x512xf32>
    %dot_general3A_22 = tpu.matmul %convert_element_type3A, %convert_element_type3A_21, %dot_general3A {dimension_numbers = #tpu.dot_dimension_numbers<[1], [0], [0], [1], [0, 0, 1, 1], [], []>, transpose_lhs_hint = false} : vector<1000x256xbf16>, vector<256x512xbf16>, vector<1000x512xf32> -> vector<1000x512xf32>
    %get3A_23 = arith.constant 0 : index
    %get3A_24 = arith.constant 0 : index
    %get3A_25 = vector.load %arg5[%get3A_23, %get3A_24] : memref<1x512xf32, #tpu.memory_space<vmem>>, vector<1x512xf32>
    %add3A_26 = vector.broadcast %get3A_25 : vector<1x512xf32> to vector<1000x512xf32>
    %add3A_27 = arith.addf %dot_general3A_22, %add3A_26 : vector<1000x512xf32>
    %max3A = arith.constant 0.000000e+00 : f32
    %max3A_28 = vector.broadcast %max3A : f32 to vector<1000x512xf32>
    %max3A_29 = arith.maximumf %add3A_27, %max3A_28 : vector<1000x512xf32>
    %convert_element_type3A_30 = arith.truncf %max3A_29 : vector<1000x512xf32> to vector<1000x512xbf16>
    %get3A_31 = arith.constant 0 : index
    %get3A_32 = arith.constant 0 : index
    %get3A_33 = vector.load %arg6[%get3A_31, %get3A_32] : memref<512x128xf32, #tpu.memory_space<vmem>>, vector<512x128xf32>
    %convert_element_type3A_34 = arith.truncf %get3A_33 : vector<512x128xf32> to vector<512x128xbf16>
    %dot_general3A_35 = arith.constant dense<0.000000e+00> : vector<1000x128xf32>
    %dot_general3A_36 = tpu.matmul %convert_element_type3A_30, %convert_element_type3A_34, %dot_general3A_35 {dimension_numbers = #tpu.dot_dimension_numbers<[1], [0], [0], [1], [0, 0, 1, 1], [], []>, transpose_lhs_hint = false} : vector<1000x512xbf16>, vector<512x128xbf16>, vector<1000x128xf32> -> vector<1000x128xf32>
    %get3A_37 = arith.constant 0 : index
    %get3A_38 = arith.constant 0 : index
    %get3A_39 = vector.load %arg7[%get3A_37, %get3A_38] : memref<1x128xf32, #tpu.memory_space<vmem>>, vector<1x128xf32>
    %add3A_40 = vector.broadcast %get3A_39 : vector<1x128xf32> to vector<1000x128xf32>
    %add3A_41 = arith.addf %dot_general3A_36, %add3A_40 : vector<1000x128xf32>
    %swap3A = arith.constant 0 : index
    %swap3A_42 = arith.constant 0 : index
    %swap3A_43 = vector.load %arg8[%swap3A, %swap3A_42] : memref<1000x128xf32, #tpu.memory_space<vmem>>, vector<1000x128xf32>
    tpu.vector_store %arg8[%swap3A, %swap3A_42], %add3A_41 {strides = array<i32>} : memref<1000x128xf32, #tpu.memory_space<vmem>>, vector<1000x128xf32>,
    return
  }
  func.func @transform_0(%arg0: i32) -> (i32, i32, i32) {
    %c0_i32 = arith.constant 0 : i32
    %c0_i32_0 = arith.constant 0 : i32
    %c0_i32_1 = arith.constant 0 : i32
    return %c0_i32, %arg0, %c0_i32_0 : i32, i32, i32
  }
  func.func @transform_1(%arg0: i32) -> (i32, i32, i32) {
    %c0_i32 = arith.constant 0 : i32
    %c0_i32_0 = arith.constant 0 : i32
    %c0_i32_1 = arith.constant 0 : i32
    return %c0_i32, %arg0, %c0_i32_0 : i32, i32, i32
  }
  func.func @transform_2(%arg0: i32) -> (i32, i32) {
    %c0_i32 = arith.constant 0 : i32
    %c0_i32_0 = arith.constant 0 : i32
    return %arg0, %c0_i32 : i32, i32
  }
  func.func @transform_3(%arg0: i32) -> (i32, i32) {
    %c0_i32 = arith.constant 0 : i32
    %c0_i32_0 = arith.constant 0 : i32
    %c0_i32_1 = arith.constant 0 : i32
    return %c0_i32, %c0_i32_0 : i32, i32
  }
  func.func @transform_4(%arg0: i32) -> (i32, i32) {
    %c0_i32 = arith.constant 0 : i32
    %c0_i32_0 = arith.constant 0 : i32
    %c0_i32_1 = arith.constant 0 : i32
    return %c0_i32, %c0_i32_0 : i32, i32
  }
  func.func @transform_5(%arg0: i32) -> (i32, i32) {
    %c0_i32 = arith.constant 0 : i32
    %c0_i32_0 = arith.constant 0 : i32
    %c0_i32_1 = arith.constant 0 : i32
    return %c0_i32, %c0_i32_0 : i32, i32
  }
  func.func @transform_6(%arg0: i32) -> (i32, i32) {
    %c0_i32 = arith.constant 0 : i32
    %c0_i32_0 = arith.constant 0 : i32
    %c0_i32_1 = arith.constant 0 : i32
    return %c0_i32, %c0_i32_0 : i32, i32
  }
  func.func @transform_7(%arg0: i32) -> (i32, i32) {
    %c0_i32 = arith.constant 0 : i32
    %c0_i32_0 = arith.constant 0 : i32
    return %arg0, %c0_i32 : i32, i32
  }
}

</mosaic_0001>

<sc_bundles>
// kernel: kernel.6.cloned.1.call-start
scs
__scs_entry_jumppad:
0x0: {  	(pc) =	sbr.rel $0x88, $3  }
0x1: {  	(tag) =	ssettag $0x0;
	lr =	simm.s32 $0x1  }
0x2: {  	[smem:$0x3F9B] =	sst lr;
	_ =	strace $0xD0000000  }
0x3: {  	_ = 	snop  }
0x4: {  	_ = 	snop  }
0x5: {  	_ = 	snop  }
0x6: {  	_ = 	snop  }
0x7: {  	_ = 	snop  }
__scs_overlays_trampoline_lowered:
0x8: {  	[smem:$0x3FAA] =	sst s0  }
0x9: {  	[smem:$0x3FAB] =	sst s1  }
0xa: {  	[smem:$0x3FAC] =	sst s2  }
0xb: {  	[smem:$0x3FAD] =	sst s3  }
0xc: {  	[smem:$0x3FAE] =	sst s4  }
0xd: {  	[smem:$0x3FAF] =	sst s5  }
0xe: {  	[smem:$0x3FB0] =	sst s6  }
0xf: {  	[smem:$0x3FB1] =	sst s7  }
0x10: {  	[smem:$0x3FB2] =	sst s8  }
0x11: {  	[smem:$0x3FB3] =	sst s9;
	s0 =	simm.s32 @!p0 $0x0  }
0x12: {  	s1 =	sld [smem:$0x3F99];
	s0 =	simm.s32 @p0 $0x1  }
0x13: {  	[smem:$0x3FB4] =	sst s0;
	s0 =	simm.s32 @!p1 $0x0  }
0x14: {  	s2 =	sld [smem:$0x3F98];
	s0 =	simm.s32 @p1 $0x1  }
0x15: {  	[smem:$0x3FB5] =	sst s0;
	s0 =	simm.s32 @!p2 $0x0  }
0x16: {  	s3 =	sld [smem:$0x3FDB];
	s0 =	simm.s32 @p2 $0x1  }
0x17: {  	s4 =	simm.s32 $0x1BF5;
	[smem:$0x3FB7] =	sst s0  }
0x18: {  	s0 =	sld [smem:$0x3F9A];
	_ =	swait.ge [sflag:s4], $0x0  }
0x19: {  	s7 =	sld [smem:$0x3F9B]  }
0x1a: {  	s8 =	sadd.s32 $0xFFFFE003, lr  }
0x1b: {  	s9 =	sadd.s32 $0xFFFFFEF7, lr;
	s5 =	simm.s32 $0xFFFFFFFF;
	p2 =	slt.u32 s8, $0xFFFFF086  }
0x1c: {  	p1 =	slt.u32 s9, $0xF7A;
	s5 =	simm.s32 @!p2 $0x0  }
0x1d: {  	s5 =	simm.s32 @p1 $0x1;
	p0 =	seq.s32 s7, s2  }
0x1e: {  	s7 =	smul.u32 @!p0 $0xF7A, s2;
	p2 =	seq.s32 @!p0 s5, $0x0  }
0x1f: {  	s9 =	smul.u32 $0xF7A, s1;
	s8 =	simm.s32 @!p0 $0x1BF5;
	p2 =	por !p2, p0  }
0x20: {  	[sflag:s8] =	ssyncset.s32 @!p0 $0xFFFFF086;
	s6 =	sadd.s32 @!p0 s3, s7;
	s7 =	simm.s32 @!p0 $0x108  }
0x21: {  	s3 =	sadd.s32 s3, s9;
	s6 =	sadd.s32 @!p0 $0x88, s6;
	s7 =	simm.s32 @p2 $0x1082  }
0x22: {  	[simem:s7], [sflag:s8] =	dma.local @!p0 [hbm:s6], $0xF7A  }
0x23: {  	s9 =	sor.u32 $0xD0000000, s2;
	s6 =	simm.s32 $0x108;
	_ =	swait.ge @!p0 [sflag:s8], $0x0  }
0x24: {  	s3 =	sadd.s32 $0x88, s3;
	s6 =	simm.s32 @!p1 $0x1082;
	[sflag:s4] =	ssyncset.s32 $0xFFFFF086  }
0x25: {  	[simem:s6], [sflag:s4] =	dma.local [hbm:s3], $0xF7A  }
0x26: {  	[smem:$0x3F9B] =	sst s1;
	(tag) =	ssettag s2;
	_ =	strace s9  }
0x27: {  	s1 =	sld [smem:$0x3FAB]  }
0x28: {  	s2 =	sld [smem:$0x3FAC]  }
0x29: {  	s4 =	sld [smem:$0x3FAE]  }
0x2a: {  	p0 =	seq.s32 s5, $0x0;
	s5 =	sld [smem:$0x3FAF]  }
0x2b: {  	s6 =	sld [smem:$0x3FB0]  }
0x2c: {  	s7 =	sld [smem:$0x3FB1]  }
0x2d: {  	s3 =	simm.s32 $0x108;
	s8 =	sld [smem:$0x3FB2]  }
0x2e: {  	s3 =	simm.s32 @!p0 $0x1082;
	s9 =	sld [smem:$0x3FB3]  }
0x2f: {  	lr =	sadd.s32 s0, s3;
	s0 =	sld [smem:$0x3FAA]  }
0x30: {  	s3 =	sld [smem:$0x3FAD]  }
0x31: {  	[smem:$0x3FB6] =	sst s10  }
0x32: {  	s10 =	sld [smem:$0x3FB4];
	_ =	sdelay $0x3  }
0x33: {  	p0 =	seq.s32 s10, $0x1;
	s10 =	sld [smem:$0x3FB6];
	_ =	sdelay $0x3  }
0x34: {  	[smem:$0x3FB6] =	sst s10  }
0x35: {  	s10 =	sld [smem:$0x3FB5];
	_ =	sdelay $0x3  }
0x36: {  	p1 =	seq.s32 s10, $0x1;
	s10 =	sld [smem:$0x3FB6];
	_ =	sdelay $0x3  }
0x37: {  	[smem:$0x3FB6] =	sst s10  }
0x38: {  	s10 =	sld [smem:$0x3FB7]  }
0x39: {  	_ = 	snop;
	(pc) =	sbr.ind lr, $3  }
0x3a: {  	_ = 	snop  }
0x3b: {  	_ = 	snop  }
0x3c: {  	p2 =	seq.s32 s10, $0x1;
	s10 =	sld [smem:$0x3FB6]  }
0x3d: {  	_ =	shalt  }
0x3e: {  	_ =	shalt  }
0x3f: {  	_ =	shalt  }
0x40: {  	_ =	shalt  }
0x41: {  	_ =	shalt  }
0x42: {  	_ =	shalt  }
0x43: {  	_ =	shalt  }
0x44: {  	_ =	shalt  }
0x45: {  	_ =	shalt  }
0x46: {  	_ =	shalt  }
0x47: {  	_ =	shalt  }
0x48: {  	_ =	shalt  }
0x49: {  	_ =	shalt  }
0x4a: {  	_ =	shalt  }
0x4b: {  	_ =	shalt  }
0x4c: {  	_ =	shalt  }
0x4d: {  	_ =	shalt  }
0x4e: {  	_ =	shalt  }
0x4f: {  	_ =	shalt  }
0x50: {  	_ =	shalt  }
0x51: {  	_ =	shalt  }
0x52: {  	_ =	shalt  }
0x53: {  	_ =	shalt  }
0x54: {  	_ =	shalt  }
0x55: {  	_ =	shalt  }
0x56: {  	_ =	shalt  }
0x57: {  	_ =	shalt  }
0x58: {  	_ =	shalt  }
0x59: {  	_ =	shalt  }
0x5a: {  	_ =	shalt  }
0x5b: {  	_ =	shalt  }
0x5c: {  	_ =	shalt  }
0x5d: {  	_ =	shalt  }
0x5e: {  	_ =	shalt  }
0x5f: {  	_ =	shalt  }
0x60: {  	_ =	shalt  }
0x61: {  	_ =	shalt  }
0x62: {  	_ =	shalt  }
0x63: {  	_ =	shalt  }
0x64: {  	_ =	shalt  }
0x65: {  	_ =	shalt  }
0x66: {  	_ =	shalt  }
0x67: {  	_ =	shalt  }
0x68: {  	_ =	shalt  }
0x69: {  	_ =	shalt  }
0x6a: {  	_ =	shalt  }
0x6b: {  	_ =	shalt  }
0x6c: {  	_ =	shalt  }
0x6d: {  	_ =	shalt  }
0x6e: {  	_ =	shalt  }
0x6f: {  	_ =	shalt  }
0x70: {  	_ =	shalt  }
0x71: {  	_ =	shalt  }
0x72: {  	_ =	shalt  }
0x73: {  	_ =	shalt  }
0x74: {  	_ =	shalt  }
0x75: {  	_ =	shalt  }
0x76: {  	_ =	shalt  }
0x77: {  	_ =	shalt  }
0x78: {  	_ =	shalt  }
0x79: {  	_ =	shalt  }
0x7a: {  	_ =	shalt  }
0x7b: {  	_ =	shalt  }
0x7c: {  	_ =	shalt  }
0x7d: {  	_ =	shalt  }
0x7e: {  	_ =	shalt  }
0x7f: {  	_ =	shalt  }
0x80: {  	_ =	shalt  }
0x81: {  	_ =	shalt  }
0x82: {  	_ =	shalt  }
0x83: {  	_ =	shalt  }
0x84: {  	_ =	shalt  }
0x85: {  	_ =	shalt  }
0x86: {  	_ =	shalt  }
0x87: {  	_ =	shalt  }
.Lfunc_end0:
.L_simem_size_0:
called_computation_lowered:
.L_overlay_start_0:
0x88: {  	s2 =	sld [smem:$0x3FD9]  }
0x89: {  	s3 =	sld [smem:$0x3FFE];
	_ =	sdelay $0x1  }
0x8a: {  	s1 =	srdreg.scid  }
0x8b: {  	s0 =	sand.u32 $0x1, s1  }
0x8c: {  	s16 =	sshll.u32 s0, $0xA;
	s2 =	sadd.s32 s3, s2  }
0x8d: {  	s2 =	sadd.s32 s2, s16  }
0x8e: {  	[smem:$0x3FC2] =	sst s2  }
0x8f: {  	_ = 	snop  }
0x90: {  	(tm) =	ssettm $0x1  }
0x91: {  	s17 =	sld [smem:$0x3FFB];
	_ =	sdelay $0x3  }
0x92: {  	_ =	strace s17  }
0x93: {  	s2 =	sld [smem:$0x3FFC];
	_ =	sdelay $0x3  }
0x94: {  	_ =	strace s2  }
0x95: {  	s2 =	sld [smem:$0x3FFD];
	_ =	sdelay $0x3  }
0x96: {  	_ =	strace s2  }
0x97: {  	_ =	strace $0x8FFFFFFF  }
0x98: {  	s18 =	sld [smem:$0x3FDB];
	_ =	sdelay $0x1  }
0x99: {  	s19 =	simm.s32 $_scs_section_size  }
0x9a: {  	s4 =	simm.s32 $_size__tile_overlayer_lowered;
	s5 =	simm.s32 $_tile_overlayer_lowered  }
0x9b: {  	s22 =	simm.s32 $0x1BFF;
	s21 =	sshll.u32 s5, $0x1;
	s2 =	sadd.s32 s19, s18  }
0x9c: {  	s6 =	simm.s32 $0x0;
	s20 =	sshll.u32 s4, $0x1;
	s4 =	sadd.s32 s21, s2  }
0x9d: {  	[timem:s6], [sflag:s22] =	dma.local [hbm:s4], s20  }
0x9e: {  	_ =	swait.ge [sflag:s22], s20  }
0x9f: {  	s3 =	ssub.s32 $0x0, s20;
	[sflag:s22] =	ssyncset.done $0x0  }
0xa0: {  	[sflag:s22] =	ssyncadd.s32 s3;
	_ =	sdelay $0x1  }
0xa1: {  	s23 =	simm.s32 $0x1B8B  }
0xa2: {  	_ =	swait.ge [sflag:s23], $0x1  }
0xa3: {  	[sflag:s23] =	ssyncset.done $0x0  }
0xa4: {  	s25 =	simm.s32 $0x1B8E;
	s24 =	sld [smem:$0x3FFE];
	[sflag:s23] =	ssyncadd.s32 $0xFFFFFFFF  }
0xa5: {  	s26 =	simm.s32 $execute0_lowered;
	[smem:$0x3FD2] =	sst s25  }
0xa6: {  	s4 =	sshll.u32 s26, $0x1;
	_ =	strace $0x80000046;
	[dreg:$0x1] =	wrdreg $0xFFFFFFFF  }
0xa7: {  	s28 =	simm.s32 $_size_execute0_lowered;
	s2 =	sadd.s32 s2, s4;
	[dreg:$0x0] =	wrdreg $0x0  }
0xa8: {  	s4 =	sshll.u32 s28, $0x1;
	[dreg:$0x2] =	wrdreg s2  }
0xa9: {  	[dreg:$0x3] =	wrdreg s4  }
0xaa: {  	[dreg:$0x4] =	wrdreg $0xC0  }
0xab: {  	_ =	task [dreg:s6], $0x5FFFF  }
0xac: {  	[dreg:$0x1] =	wrdreg $0xFFFFFFFF  }
0xad: {  	[dreg:$0x0] =	wrdreg $0x60  }
0xae: {  	[dreg:$0x2] =	wrdreg s24  }
0xaf: {  	[dreg:$0x3] =	wrdreg $0x0  }
0xb0: {  	[dreg:$0x4] =	wrdreg $0x9  }
0xb1: {  	_ =	task.clear_ibuf [dreg:s6], $0x5FFFF;
	_ =	strace $0x90000046  }
0xb2: {  	s29 =	simm.s32 $0x9;
	_ =	strace $0x80000048  }
0xb3: {  	_ =	swait.ge [sflag:s29], $0x1  }
0xb4: {  	[sflag:s29] =	ssyncadd.s32 $0xFFFFFFFF  }
0xb5: {  	_ =	strace $0x90000048  }
0xb6: {  	_ =	sfence  }
0xb7: {  	s30 =	sld [smem:$0x0];
	_ =	sdelay $0x2  }
0xb8: {  	s31 =	sshll.u32 s1, $0xD;
	s1 =	sshrl.u32 s1, $0x2  }
0xb9: {  	s3 =	sand.u32 $0x4000, s31;
	s1 =	sadd.s32 s1, s30  }
0xba: {  	s0 =	sor.u32 s3, s0;
	s1 =	sshll.u32 s1, $0x11  }
0xbb: {  	s0 =	sor.u32 s1, s0  }
0xbc: {  	s0 =	sadd.s32 $0x8F2B, s0  }
0xbd: {  	[sflag:s0] =	ssyncadd.remote.s32 $0x1  }
0xbe: {  	_ =	sfence.sel $0xFFFF  }
0xbf: {  	[dreg:$0x0] =	wrdreg $0xFFFFFFFF;
	(pc) =	sbr.abs _section_cstart, $3  }
0xc0: {  	[dreg:$0x1] =	wrdreg $0xFFFFFFFF  }
0xc1: {  	_ =	task.clear_ibuf [dreg:s6], $0x2FFFF;
	_ =	strace $0x9FFFFFFF  }
0xc2: {  	(tm) =	ssettm $0x7FFFFFFF  }
0xc3: {  	_ =	shalt  }
tec
execute0_lowered:
.L_overlay_start_1:
0x0: {  	(tag) =	ssettag $0x1  }
0x1: {  	s0 =	srdreg.scid  }
0x2: {  	s1 =	rddreg [dreg:$0x0];
	s11 =	stileid.u32  }
0x3: {  	s2 =	rddreg [dreg:$0x1];
	s3 =	simm.s32 $0x0;
	s9 =	simm.s32 $0x15000  }
0x4: {  	s10 =	simm.s32 $0x2;
	s13 =	simm.s32 $0x13C00;
	s14 =	simm.s32 $0x80  }
0x5: {  	s21 =	simm.s32 $0x14880;
	s28 =	simm.s32 $0x14B80;
	s29 =	simm.s32 $0x14C00  }
0x6: {  	s30 =	simm.s32 $0x14C80;
	s31 =	simm.s32 $0x14D00;
	s5 =	smul.u32 $0x280, s11  }
0x7: {  	s15 =	simm.s32 $0x14E80;
	s16 =	simm.s32 $0x14F00;
	s6 =	smul.u32 $0x13C00, s11  }
0x8: {  	s17 =	simm.s32 $0x14F80;
	s0 =	sand.u32 $0x1, s0;
	s24 =	smul.u32 $0x4F000, s11  }
0x9: {  	s18 =	simm.s32 $0x1;
	s19 =	simm.s32 $0x0;
	s4 =	smul.u32 $0x2800, s0  }
0xa: {  	[smem:$0x7FF] =	sst s3;
	s26 =	sshll.u32 s11, $0x6;
	s22 =	smul.u32 $0x13C000, s0  }
0xb: {  	_ =	strace $0x80000047;
	s0 =	ssub.s32 $0x2, s0;
	s11 =	sor.u32 $0x1C02, s26  }
0xc: {  	s26 =	simm.s32 $0x14B00;
	s23 =	sshrl.u32 s6, $0x3;
	s25 =	sshrl.u32 s0, $0x1  }
0xd: {  	s4 =	sadd.s32 s5, s4;
	s8 =	sadd.s32 s23, s1;
	s5 =	sadd.s32 s6, s22  }
0xe: {  	s6 =	sshrl.u32 s24, $0x2;
	s0 =	ssub.s32 s0, s25;
	s22 =	simm.s32 $0x14900  }
0xf: {  	s23 =	simm.s32 $0x14980;
	s24 =	simm.s32 $0x14A00;
	s25 =	simm.s32 $0x14A80  }
0x10: {  	s7 =	sadd.s32 s4, s1;
	s4 =	sadd.s32 $0x6A00, s1;
	s5 =	sshrl.u32 s5, $0x3  }
0x11: {  	s12 =	sadd.s32 s6, s2;
	s1 =	sadd.s32 s5, s1;
	s5 =	sadd.s32 $0x7200, s8  }
0x12: {  	s6 =	sadd.s32 $0x1A00, s7;
	s8 =	smax.u32 s0, $0x1;
	s12 =	sshrl.u32 s12, $0x3  }
0x13: {  	s0 =	simm.s32 $0x14E00;
	s7 =	sadd.s32 $0x2EA00, s1;
	s1 =	simm.s32 $0x14D80  }
.LBB2_1:
0x14: {  	[tilespmem:s9], [sflag:$0x2] =	stream.linear.gather [hbm4b:s4+s3], $0x4000, $0x38;
	[tilespmem:$0x19000] =	vst v63  }
0x15: {  	_ =	swait.ge [sflag:s10], $0x4000  }
0x16: {  	[sflag:s10] =	ssyncset.done $0x0  }
0x17: {  	[sflag:s10] =	ssyncadd.s32 $0xFFFFC000  }
0x18: {  	[spmem:s12], [sflag:s11] =	dma.local [hbm:s5], $0x2780  }
0x19: {  	_ =	swait.ge [sflag:s10], $0x2780  }
0x1a: {  	[sflag:s10] =	ssyncset.done $0x0  }
0x1b: {  	[sflag:s10] =	ssyncadd.s32 $0xFFFFD880  }
0x1c: {  	[tilespmem:s13], [sflag:$0x2] =	stream.linear.gather [hbm4b:s6+s3], $0x1400, $0x38;
	[tilespmem:$0x19000] =	vst v63  }
0x1d: {  	_ =	swait.ge [sflag:s10], $0x1400  }
0x1e: {  	[sflag:s10] =	ssyncset.done $0x0  }
0x1f: {  	[sflag:s10] =	ssyncadd.s32 $0xFFFFEC00  }
0x20: {  	[bflag:$0x0] =	sbarrier.arrive $0xFFFF  }
0x21: {  	[spmem:s2] =	stream.indirect.scatter.add.f32 [tilespmem:s9], [sflag:$0x1], $0x80, s13, s14, $0xb8;
	[tilespmem:$0x19000] =	vst v63  }
0x22: {  	s20 =	simm.s32 $0x13C80  }
0x23: {  	[spmem:s2] =	stream.indirect.scatter.add.f32 [tilespmem:s9], [sflag:$0x1], $0x80, s20, s14, $0xb8;
	[tilespmem:$0x19000] =	vst v63  }
0x24: {  	s20 =	simm.s32 $0x13D00  }
0x25: {  	[spmem:s2] =	stream.indirect.scatter.add.f32 [tilespmem:s9], [sflag:$0x1], $0x80, s20, s14, $0xb8;
	[tilespmem:$0x19000] =	vst v63  }
0x26: {  	s20 =	simm.s32 $0x13D80  }
0x27: {  	[spmem:s2] =	stream.indirect.scatter.add.f32 [tilespmem:s9], [sflag:$0x1], $0x80, s20, s14, $0xb8;
	[tilespmem:$0x19000] =	vst v63  }
0x28: {  	s20 =	simm.s32 $0x13E00  }
0x29: {  	[spmem:s2] =	stream.indirect.scatter.add.f32 [tilespmem:s9], [sflag:$0x1], $0x80, s20, s14, $0xb8;
	[tilespmem:$0x19000] =	vst v63  }
0x2a: {  	s20 =	simm.s32 $0x13E80  }
0x2b: {  	[spmem:s2] =	stream.indirect.scatter.add.f32 [tilespmem:s9], [sflag:$0x1], $0x80, s20, s14, $0xb8;
	[tilespmem:$0x19000] =	vst v63  }
0x2c: {  	s20 =	simm.s32 $0x13F00  }
0x2d: {  	[spmem:s2] =	stream.indirect.scatter.add.f32 [tilespmem:s9], [sflag:$0x1], $0x80, s20, s14, $0xb8;
	[tilespmem:$0x19000] =	vst v63  }
0x2e: {  	s20 =	simm.s32 $0x13F80  }
0x2f: {  	[spmem:s2] =	stream.indirect.scatter.add.f32 [tilespmem:s9], [sflag:$0x1], $0x80, s20, s14, $0xb8;
	[tilespmem:$0x19000] =	vst v63  }
0x30: {  	s20 =	simm.s32 $0x14000  }
0x31: {  	[spmem:s2] =	stream.indirect.scatter.add.f32 [tilespmem:s9], [sflag:$0x1], $0x80, s20, s14, $0xb8;
	[tilespmem:$0x19000] =	vst v63  }
0x32: {  	s20 =	simm.s32 $0x14080  }
0x33: {  	[spmem:s2] =	stream.indirect.scatter.add.f32 [tilespmem:s9], [sflag:$0x1], $0x80, s20, s14, $0xb8;
	[tilespmem:$0x19000] =	vst v63  }
0x34: {  	s20 =	simm.s32 $0x14100  }
0x35: {  	[spmem:s2] =	stream.indirect.scatter.add.f32 [tilespmem:s9], [sflag:$0x1], $0x80, s20, s14, $0xb8;
	[tilespmem:$0x19000] =	vst v63  }
0x36: {  	s20 =	simm.s32 $0x14180  }
0x37: {  	[spmem:s2] =	stream.indirect.scatter.add.f32 [tilespmem:s9], [sflag:$0x1], $0x80, s20, s14, $0xb8;
	[tilespmem:$0x19000] =	vst v63  }
0x38: {  	s20 =	simm.s32 $0x14200  }
0x39: {  	[spmem:s2] =	stream.indirect.scatter.add.f32 [tilespmem:s9], [sflag:$0x1], $0x80, s20, s14, $0xb8;
	[tilespmem:$0x19000] =	vst v63  }
0x3a: {  	s20 =	simm.s32 $0x14280  }
0x3b: {  	[spmem:s2] =	stream.indirect.scatter.add.f32 [tilespmem:s9], [sflag:$0x1], $0x80, s20, s14, $0xb8;
	[tilespmem:$0x19000] =	vst v63  }
0x3c: {  	s20 =	simm.s32 $0x14300  }
0x3d: {  	[spmem:s2] =	stream.indirect.scatter.add.f32 [tilespmem:s9], [sflag:$0x1], $0x80, s20, s14, $0xb8;
	[tilespmem:$0x19000] =	vst v63  }
0x3e: {  	s20 =	simm.s32 $0x14380  }
0x3f: {  	[spmem:s2] =	stream.indirect.scatter.add.f32 [tilespmem:s9], [sflag:$0x1], $0x80, s20, s14, $0xb8;
	[tilespmem:$0x19000] =	vst v63  }
0x40: {  	s20 =	simm.s32 $0x14400  }
0x41: {  	[spmem:s2] =	stream.indirect.scatter.add.f32 [tilespmem:s9], [sflag:$0x1], $0x80, s20, s14, $0xb8;
	[tilespmem:$0x19000] =	vst v63  }
0x42: {  	s20 =	simm.s32 $0x14480  }
0x43: {  	[spmem:s2] =	stream.indirect.scatter.add.f32 [tilespmem:s9], [sflag:$0x1], $0x80, s20, s14, $0xb8;
	[tilespmem:$0x19000] =	vst v63  }
0x44: {  	s20 =	simm.s32 $0x14500  }
0x45: {  	[spmem:s2] =	stream.indirect.scatter.add.f32 [tilespmem:s9], [sflag:$0x1], $0x80, s20, s14, $0xb8;
	[tilespmem:$0x19000] =	vst v63  }
0x46: {  	s20 =	simm.s32 $0x14580  }
0x47: {  	[spmem:s2] =	stream.indirect.scatter.add.f32 [tilespmem:s9], [sflag:$0x1], $0x80, s20, s14, $0xb8;
	[tilespmem:$0x19000] =	vst v63  }
0x48: {  	s20 =	simm.s32 $0x14600  }
0x49: {  	[spmem:s2] =	stream.indirect.scatter.add.f32 [tilespmem:s9], [sflag:$0x1], $0x80, s20, s14, $0xb8;
	[tilespmem:$0x19000] =	vst v63  }
0x4a: {  	s20 =	simm.s32 $0x14680  }
0x4b: {  	[spmem:s2] =	stream.indirect.scatter.add.f32 [tilespmem:s9], [sflag:$0x1], $0x80, s20, s14, $0xb8;
	[tilespmem:$0x19000] =	vst v63  }
0x4c: {  	s20 =	simm.s32 $0x14700  }
0x4d: {  	[spmem:s2] =	stream.indirect.scatter.add.f32 [tilespmem:s9], [sflag:$0x1], $0x80, s20, s14, $0xb8;
	[tilespmem:$0x19000] =	vst v63  }
0x4e: {  	s20 =	simm.s32 $0x14780  }
0x4f: {  	[spmem:s2] =	stream.indirect.scatter.add.f32 [tilespmem:s9], [sflag:$0x1], $0x80, s20, s14, $0xb8;
	[tilespmem:$0x19000] =	vst v63  }
0x50: {  	s20 =	simm.s32 $0x14800  }
0x51: {  	[spmem:s2] =	stream.indirect.scatter.add.f32 [tilespmem:s9], [sflag:$0x1], $0x80, s20, s14, $0xb8;
	[tilespmem:$0x19000] =	vst v63  }
0x52: {  	_ = 	snop  }
0x53: {  	[spmem:s2] =	stream.indirect.scatter.add.f32 [tilespmem:s9], [sflag:$0x1], $0x80, s21, s14, $0xb8;
	[tilespmem:$0x19000] =	vst v63  }
0x54: {  	_ = 	snop  }
0x55: {  	[spmem:s2] =	stream.indirect.scatter.add.f32 [tilespmem:s9], [sflag:$0x1], $0x80, s22, s14, $0xb8;
	[tilespmem:$0x19000] =	vst v63  }
0x56: {  	_ = 	snop  }
0x57: {  	[spmem:s2] =	stream.indirect.scatter.add.f32 [tilespmem:s9], [sflag:$0x1], $0x80, s23, s14, $0xb8;
	[tilespmem:$0x19000] =	vst v63  }
0x58: {  	_ = 	snop  }
0x59: {  	[spmem:s2] =	stream.indirect.scatter.add.f32 [tilespmem:s9], [sflag:$0x1], $0x80, s24, s14, $0xb8;
	[tilespmem:$0x19000] =	vst v63  }
0x5a: {  	_ = 	snop  }
0x5b: {  	[spmem:s2] =	stream.indirect.scatter.add.f32 [tilespmem:s9], [sflag:$0x1], $0x80, s25, s14, $0xb8;
	[tilespmem:$0x19000] =	vst v63  }
0x5c: {  	_ = 	snop  }
0x5d: {  	[spmem:s2] =	stream.indirect.scatter.add.f32 [tilespmem:s9], [sflag:$0x1], $0x80, s26, s14, $0xb8;
	[tilespmem:$0x19000] =	vst v63  }
0x5e: {  	_ = 	snop  }
0x5f: {  	[spmem:s2] =	stream.indirect.scatter.add.f32 [tilespmem:s9], [sflag:$0x1], $0x80, s28, s14, $0xb8;
	[tilespmem:$0x19000] =	vst v63  }
0x60: {  	_ = 	snop  }
0x61: {  	[spmem:s2] =	stream.indirect.scatter.add.f32 [tilespmem:s9], [sflag:$0x1], $0x80, s29, s14, $0xb8;
	[tilespmem:$0x19000] =	vst v63  }
0x62: {  	_ = 	snop  }
0x63: {  	[spmem:s2] =	stream.indirect.scatter.add.f32 [tilespmem:s9], [sflag:$0x1], $0x80, s30, s14, $0xb8;
	[tilespmem:$0x19000] =	vst v63  }
0x64: {  	_ = 	snop  }
0x65: {  	[spmem:s2] =	stream.indirect.scatter.add.f32 [tilespmem:s9], [sflag:$0x1], $0x80, s31, s14, $0xb8;
	[tilespmem:$0x19000] =	vst v63  }
0x66: {  	_ = 	snop  }
0x67: {  	[spmem:s2] =	stream.indirect.scatter.add.f32 [tilespmem:s9], [sflag:$0x1], $0x80, s1, s14, $0xb8;
	[tilespmem:$0x19000] =	vst v63  }
0x68: {  	_ = 	snop  }
0x69: {  	[spmem:s2] =	stream.indirect.scatter.add.f32 [tilespmem:s9], [sflag:$0x1], $0x80, s0, s14, $0xb8;
	[tilespmem:$0x19000] =	vst v63  }
0x6a: {  	_ = 	snop  }
0x6b: {  	[spmem:s2] =	stream.indirect.scatter.add.f32 [tilespmem:s9], [sflag:$0x1], $0x80, s15, s14, $0xb8;
	[tilespmem:$0x19000] =	vst v63  }
0x6c: {  	_ = 	snop  }
0x6d: {  	[spmem:s2] =	stream.indirect.scatter.add.f32 [tilespmem:s9], [sflag:$0x1], $0x80, s16, s14, $0xb8;
	[tilespmem:$0x19000] =	vst v63  }
0x6e: {  	_ = 	snop  }
0x6f: {  	[spmem:s2] =	stream.indirect.scatter.add.f32 [tilespmem:s9], [sflag:$0x1], $0x80, s17, s14, $0xb8;
	[tilespmem:$0x19000] =	vst v63  }
0x70: {  	_ =	swait.ge [sflag:s18], $0x4000  }
0x71: {  	s20 =	simm.s32 $0x27;
	[sflag:s18] =	ssyncset.done $0x0  }
.LBB2_2:
0x72: {  	p0 =	sne.s32 s20, $0x1;
	s20 =	sadd.s32 $0xFFFFFFFF, s20;
	[sflag:s18] =	ssyncadd.s32 $0xFFFFC000  }
.Ltmp0:
0x73: {  	(pc) =	sbr.rel @p0 .LBB2_2-.Ltmp0, $3  }
0x74: {  	_ =	sdelay $0x1  }
0x75: {  	_ =	swait.ge [sflag:s18], $0x4000  }
0x76: {  	[sflag:s18] =	ssyncset.done $0x0  }
0x77: {  	s19 =	sadd.s32 $0x1, s19  }
0x78: {  	[sflag:s18] =	ssyncadd.s32 $0xFFFFC000;
	p0 =	sne.s32 s19, s8  }
.Ltmp1:
0x79: {  	[bflag:$0x0] =	sbarrier.arrive $0xFFFF;
	(pc) =	sbr.rel @p0 .LBB2_1-.Ltmp1, $4  }
0x7a: {  	[hbm:s7], [sflag:s11] =	dma.local [spmem:s12], $0x2780  }
0x7b: {  	_ =	swait.ge [sflag:s10], $0x2780  }
0x7c: {  	[sflag:s10] =	ssyncset.done $0x0  }
0x7d: {  	[sflag:s10] =	ssyncadd.s32 $0xFFFFD880  }
0x7e: {  	_ =	sfence.sel $0x180000  }
0x7f: {  	[bflag:$0x0] =	sbarrier.arrive $0xFFFF  }
0x80: {  	_ =	strace $0x90000047  }
0x81: {  	s0 =	stileid.u32;
	[bflag:$0x2] =	sbarrier.arrive $0xFFFF  }
0x82: {  	p0 =	sne.s32 s0, $0x0;
	s0 =	rddreg [dreg:$0x2]  }
0x83: {  	s0 =	sadd.s32 @!p0 $0x100000, s0  }
0x84: {  	[sflag:s0] =	ssyncadd.tile.s32 @!p0 $0x1;
	_ =	shalt  }
.Lfunc_end2:
_tile_overlayer_lowered:
.L_overlay_start_2:
0x85: {  	(tag) =	ssettag $0x2  }
0x86: {  	s0 =	rddreg [dreg:$0x0];
	s2 =	stileid.u32  }
0x87: {  	s1 =	rddreg [dreg:$0x1];
	p0 =	sne.s32 s2, $0x0  }
0x88: {  	s3 =	rddreg [dreg:$0x2];
	[bflag:$0x3] =	sbarrier.arrive $0xFFFF;
	s2 =	simm.s32 @!p0 $0x1C02  }
0x89: {  	[timem:s3], [sflag:s2] =	dma.local @!p0 [hbm:s0], s1  }
0x8a: {  	s0 =	simm.s32 @!p0 $0x2  }
0x8b: {  	_ =	swait.ge @!p0 [sflag:s0], s1  }
0x8c: {  	s1 =	ssub.s32 @!p0 $0x0, s1;
	[sflag:s0] =	ssyncset.done @!p0 $0x0  }
0x8d: {  	[sflag:s0] =	ssyncadd.s32 @!p0 s1  }
0x8e: {  	[bflag:$0x3] =	sbarrier.arrive $0xFFFF  }
0x8f: {  	_ =	shalt  }

// kernel: kernel.9.cloned.1.call-start
scs
__scs_entry_jumppad:
0x0: {  	(pc) =	sbr.rel $0x88, $3  }
0x1: {  	(tag) =	ssettag $0x0;
	lr =	simm.s32 $0x1  }
0x2: {  	[smem:$0x3F9B] =	sst lr;
	_ =	strace $0xD0000000  }
0x3: {  	_ = 	snop  }
0x4: {  	_ = 	snop  }
0x5: {  	_ = 	snop  }
0x6: {  	_ = 	snop  }
0x7: {  	_ = 	snop  }
__scs_overlays_trampoline_lowered:
0x8: {  	[smem:$0x3FAA] =	sst s0  }
0x9: {  	[smem:$0x3FAB] =	sst s1  }
0xa: {  	[smem:$0x3FAC] =	sst s2  }
0xb: {  	[smem:$0x3FAD] =	sst s3  }
0xc: {  	[smem:$0x3FAE] =	sst s4  }
0xd: {  	[smem:$0x3FAF] =	sst s5  }
0xe: {  	[smem:$0x3FB0] =	sst s6  }
0xf: {  	[smem:$0x3FB1] =	sst s7  }
0x10: {  	[smem:$0x3FB2] =	sst s8  }
0x11: {  	[smem:$0x3FB3] =	sst s9;
	s0 =	simm.s32 @!p0 $0x0  }
0x12: {  	s1 =	sld [smem:$0x3F99];
	s0 =	simm.s32 @p0 $0x1  }
0x13: {  	[smem:$0x3FB4] =	sst s0;
	s0 =	simm.s32 @!p1 $0x0  }
0x14: {  	s2 =	sld [smem:$0x3F98];
	s0 =	simm.s32 @p1 $0x1  }
0x15: {  	[smem:$0x3FB5] =	sst s0;
	s0 =	simm.s32 @!p2 $0x0  }
0x16: {  	s3 =	sld [smem:$0x3FDB];
	s0 =	simm.s32 @p2 $0x1  }
0x17: {  	s4 =	simm.s32 $0x1BF5;
	[smem:$0x3FB7] =	sst s0  }
0x18: {  	s0 =	sld [smem:$0x3F9A];
	_ =	swait.ge [sflag:s4], $0x0  }
0x19: {  	s7 =	sld [smem:$0x3F9B]  }
0x1a: {  	s8 =	sadd.s32 $0xFFFFE003, lr  }
0x1b: {  	s9 =	sadd.s32 $0xFFFFFEF7, lr;
	s5 =	simm.s32 $0xFFFFFFFF;
	p2 =	slt.u32 s8, $0xFFFFF086  }
0x1c: {  	p1 =	slt.u32 s9, $0xF7A;
	s5 =	simm.s32 @!p2 $0x0  }
0x1d: {  	s5 =	simm.s32 @p1 $0x1;
	p0 =	seq.s32 s7, s2  }
0x1e: {  	s7 =	smul.u32 @!p0 $0xF7A, s2;
	p2 =	seq.s32 @!p0 s5, $0x0  }
0x1f: {  	s9 =	smul.u32 $0xF7A, s1;
	s8 =	simm.s32 @!p0 $0x1BF5;
	p2 =	por !p2, p0  }
0x20: {  	[sflag:s8] =	ssyncset.s32 @!p0 $0xFFFFF086;
	s6 =	sadd.s32 @!p0 s3, s7;
	s7 =	simm.s32 @!p0 $0x108  }
0x21: {  	s3 =	sadd.s32 s3, s9;
	s6 =	sadd.s32 @!p0 $0x88, s6;
	s7 =	simm.s32 @p2 $0x1082  }
0x22: {  	[simem:s7], [sflag:s8] =	dma.local @!p0 [hbm:s6], $0xF7A  }
0x23: {  	s9 =	sor.u32 $0xD0000000, s2;
	s6 =	simm.s32 $0x108;
	_ =	swait.ge @!p0 [sflag:s8], $0x0  }
0x24: {  	s3 =	sadd.s32 $0x88, s3;
	s6 =	simm.s32 @!p1 $0x1082;
	[sflag:s4] =	ssyncset.s32 $0xFFFFF086  }
0x25: {  	[simem:s6], [sflag:s4] =	dma.local [hbm:s3], $0xF7A  }
0x26: {  	[smem:$0x3F9B] =	sst s1;
	(tag) =	ssettag s2;
	_ =	strace s9  }
0x27: {  	s1 =	sld [smem:$0x3FAB]  }
0x28: {  	s2 =	sld [smem:$0x3FAC]  }
0x29: {  	s4 =	sld [smem:$0x3FAE]  }
0x2a: {  	p0 =	seq.s32 s5, $0x0;
	s5 =	sld [smem:$0x3FAF]  }
0x2b: {  	s6 =	sld [smem:$0x3FB0]  }
0x2c: {  	s7 =	sld [smem:$0x3FB1]  }
0x2d: {  	s3 =	simm.s32 $0x108;
	s8 =	sld [smem:$0x3FB2]  }
0x2e: {  	s3 =	simm.s32 @!p0 $0x1082;
	s9 =	sld [smem:$0x3FB3]  }
0x2f: {  	lr =	sadd.s32 s0, s3;
	s0 =	sld [smem:$0x3FAA]  }
0x30: {  	s3 =	sld [smem:$0x3FAD]  }
0x31: {  	[smem:$0x3FB6] =	sst s10  }
0x32: {  	s10 =	sld [smem:$0x3FB4];
	_ =	sdelay $0x3  }
0x33: {  	p0 =	seq.s32 s10, $0x1;
	s10 =	sld [smem:$0x3FB6];
	_ =	sdelay $0x3  }
0x34: {  	[smem:$0x3FB6] =	sst s10  }
0x35: {  	s10 =	sld [smem:$0x3FB5];
	_ =	sdelay $0x3  }
0x36: {  	p1 =	seq.s32 s10, $0x1;
	s10 =	sld [smem:$0x3FB6];
	_ =	sdelay $0x3  }
0x37: {  	[smem:$0x3FB6] =	sst s10  }
0x38: {  	s10 =	sld [smem:$0x3FB7]  }
0x39: {  	_ = 	snop;
	(pc) =	sbr.ind lr, $3  }
0x3a: {  	_ = 	snop  }
0x3b: {  	_ = 	snop  }
0x3c: {  	p2 =	seq.s32 s10, $0x1;
	s10 =	sld [smem:$0x3FB6]  }
0x3d: {  	_ =	shalt  }
0x3e: {  	_ =	shalt  }
0x3f: {  	_ =	shalt  }
0x40: {  	_ =	shalt  }
0x41: {  	_ =	shalt  }
0x42: {  	_ =	shalt  }
0x43: {  	_ =	shalt  }
0x44: {  	_ =	shalt  }
0x45: {  	_ =	shalt  }
0x46: {  	_ =	shalt  }
0x47: {  	_ =	shalt  }
0x48: {  	_ =	shalt  }
0x49: {  	_ =	shalt  }
0x4a: {  	_ =	shalt  }
0x4b: {  	_ =	shalt  }
0x4c: {  	_ =	shalt  }
0x4d: {  	_ =	shalt  }
0x4e: {  	_ =	shalt  }
0x4f: {  	_ =	shalt  }
0x50: {  	_ =	shalt  }
0x51: {  	_ =	shalt  }
0x52: {  	_ =	shalt  }
0x53: {  	_ =	shalt  }
0x54: {  	_ =	shalt  }
0x55: {  	_ =	shalt  }
0x56: {  	_ =	shalt  }
0x57: {  	_ =	shalt  }
0x58: {  	_ =	shalt  }
0x59: {  	_ =	shalt  }
0x5a: {  	_ =	shalt  }
0x5b: {  	_ =	shalt  }
0x5c: {  	_ =	shalt  }
0x5d: {  	_ =	shalt  }
0x5e: {  	_ =	shalt  }
0x5f: {  	_ =	shalt  }
0x60: {  	_ =	shalt  }
0x61: {  	_ =	shalt  }
0x62: {  	_ =	shalt  }
0x63: {  	_ =	shalt  }
0x64: {  	_ =	shalt  }
0x65: {  	_ =	shalt  }
0x66: {  	_ =	shalt  }
0x67: {  	_ =	shalt  }
0x68: {  	_ =	shalt  }
0x69: {  	_ =	shalt  }
0x6a: {  	_ =	shalt  }
0x6b: {  	_ =	shalt  }
0x6c: {  	_ =	shalt  }
0x6d: {  	_ =	shalt  }
0x6e: {  	_ =	shalt  }
0x6f: {  	_ =	shalt  }
0x70: {  	_ =	shalt  }
0x71: {  	_ =	shalt  }
0x72: {  	_ =	shalt  }
0x73: {  	_ =	shalt  }
0x74: {  	_ =	shalt  }
0x75: {  	_ =	shalt  }
0x76: {  	_ =	shalt  }
0x77: {  	_ =	shalt  }
0x78: {  	_ =	shalt  }
0x79: {  	_ =	shalt  }
0x7a: {  	_ =	shalt  }
0x7b: {  	_ =	shalt  }
0x7c: {  	_ =	shalt  }
0x7d: {  	_ =	shalt  }
0x7e: {  	_ =	shalt  }
0x7f: {  	_ =	shalt  }
0x80: {  	_ =	shalt  }
0x81: {  	_ =	shalt  }
0x82: {  	_ =	shalt  }
0x83: {  	_ =	shalt  }
0x84: {  	_ =	shalt  }
0x85: {  	_ =	shalt  }
0x86: {  	_ =	shalt  }
0x87: {  	_ =	shalt  }
.Lfunc_end0:
.L_simem_size_0:
called_computation.1_lowered:
.L_overlay_start_0:
0x88: {  	s2 =	sld [smem:$0x3FD9]  }
0x89: {  	s3 =	sld [smem:$0x3FFE];
	_ =	sdelay $0x1  }
0x8a: {  	s1 =	srdreg.scid  }
0x8b: {  	s0 =	sand.u32 $0x1, s1  }
0x8c: {  	s17 =	sshll.u32 s0, $0xA;
	s2 =	sadd.s32 s3, s2  }
0x8d: {  	s2 =	sadd.s32 s2, s17  }
0x8e: {  	[smem:$0x3FC2] =	sst s2  }
0x8f: {  	_ = 	snop  }
0x90: {  	s2 =	sld [smem:$0x3FD0];
	(tm) =	ssettm $0x1  }
0x91: {  	s18 =	sld [smem:$0x3FFB];
	_ =	sdelay $0x3  }
0x92: {  	_ =	strace s18  }
0x93: {  	s3 =	sld [smem:$0x3FFC];
	_ =	sdelay $0x3  }
0x94: {  	_ =	strace s3  }
0x95: {  	s3 =	sld [smem:$0x3FFD];
	_ =	sdelay $0x3  }
0x96: {  	_ =	strace s3  }
0x97: {  	_ =	strace $0x8FFFFFFF  }
0x98: {  	s19 =	sld [smem:$0x3FDB];
	_ =	sdelay $0x1  }
0x99: {  	s4 =	simm.s32 $_scs_section_size  }
0x9a: {  	s5 =	simm.s32 $_size__tile_overlayer_lowered;
	s6 =	simm.s32 $_tile_overlayer_lowered  }
0x9b: {  	s22 =	simm.s32 $0x1BFF;
	s21 =	sshll.u32 s6, $0x1;
	s3 =	sadd.s32 s4, s19  }
0x9c: {  	s7 =	simm.s32 $0x0;
	s20 =	sshll.u32 s5, $0x1;
	s5 =	sadd.s32 s21, s3  }
0x9d: {  	[timem:s7], [sflag:s22] =	dma.local [hbm:s5], s20  }
0x9e: {  	_ =	swait.ge [sflag:s22], s20  }
0x9f: {  	s4 =	ssub.s32 $0x0, s20;
	[sflag:s22] =	ssyncset.done $0x0  }
0xa0: {  	[sflag:s22] =	ssyncadd.s32 s4;
	_ =	sdelay $0x1  }
0xa1: {  	s23 =	simm.s32 $0x1B8B  }
0xa2: {  	_ =	swait.ge [sflag:s23], $0x1  }
0xa3: {  	[sflag:s23] =	ssyncset.done $0x0  }
0xa4: {  	s25 =	simm.s32 $0x1B8E;
	s24 =	sld [smem:$0x3FFE];
	[sflag:s23] =	ssyncadd.s32 $0xFFFFFFFF  }
0xa5: {  	s26 =	simm.s32 $execute0_lowered;
	[smem:$0x3FD2] =	sst s25  }
0xa6: {  	s5 =	sshll.u32 s26, $0x1;
	_ =	strace $0x80000049;
	[dreg:$0x1] =	wrdreg $0xFFFFFFFF  }
0xa7: {  	s28 =	simm.s32 $_size_execute0_lowered;
	s3 =	sadd.s32 s3, s5;
	[dreg:$0x0] =	wrdreg $0x0  }
0xa8: {  	s5 =	sshll.u32 s28, $0x1;
	[dreg:$0x2] =	wrdreg s3  }
0xa9: {  	[dreg:$0x3] =	wrdreg s5  }
0xaa: {  	[dreg:$0x4] =	wrdreg $0xC0  }
0xab: {  	_ =	task [dreg:s7], $0x5FFFF  }
0xac: {  	[dreg:$0x1] =	wrdreg $0xFFFFFFFF  }
0xad: {  	[dreg:$0x0] =	wrdreg $0x60  }
0xae: {  	[dreg:$0x2] =	wrdreg s2  }
0xaf: {  	[dreg:$0x3] =	wrdreg s24  }
0xb0: {  	[dreg:$0x4] =	wrdreg $0x0  }
0xb1: {  	[dreg:$0x5] =	wrdreg $0x9  }
0xb2: {  	_ =	task.clear_ibuf [dreg:s7], $0x6FFFF;
	_ =	strace $0x90000049  }
0xb3: {  	s29 =	simm.s32 $0x9;
	_ =	strace $0x8000004B  }
0xb4: {  	_ =	swait.ge [sflag:s29], $0x1  }
0xb5: {  	[sflag:s29] =	ssyncadd.s32 $0xFFFFFFFF  }
0xb6: {  	_ =	strace $0x9000004B  }
0xb7: {  	_ =	sfence  }
0xb8: {  	s30 =	sld [smem:$0x0];
	_ =	sdelay $0x2  }
0xb9: {  	s31 =	sshll.u32 s1, $0xD;
	s1 =	sshrl.u32 s1, $0x2  }
0xba: {  	s3 =	sand.u32 $0x4000, s31;
	s1 =	sadd.s32 s1, s30  }
0xbb: {  	s0 =	sor.u32 s3, s0;
	s1 =	sshll.u32 s1, $0x11  }
0xbc: {  	s0 =	sor.u32 s1, s0  }
0xbd: {  	s0 =	sadd.s32 $0x8F2B, s0  }
0xbe: {  	[sflag:s0] =	ssyncadd.remote.s32 $0x1  }
0xbf: {  	_ =	sfence.sel $0xFFFF  }
0xc0: {  	[dreg:$0x0] =	wrdreg $0xFFFFFFFF;
	(pc) =	sbr.abs _section_cstart, $3  }
0xc1: {  	[dreg:$0x1] =	wrdreg $0xFFFFFFFF  }
0xc2: {  	_ =	task.clear_ibuf [dreg:s7], $0x2FFFF;
	_ =	strace $0x9FFFFFFF  }
0xc3: {  	(tm) =	ssettm $0x7FFFFFFF  }
tec
execute0_lowered:
.L_overlay_start_1:
0x0: {  	(tag) =	ssettag $0x1  }
0x1: {  	s1 =	rddreg [dreg:$0x0]  }
0x2: {  	s9 =	rddreg [dreg:$0x1]  }
0x3: {  	s3 =	rddreg [dreg:$0x2];
	s2 =	simm.s32 $0x0  }
0x4: {  	s0 =	stileid.u32;
	s5 =	srdreg.scid;
	s17 =	simm.s32 $0x13C00  }
0x5: {  	s19 =	simm.s32 $0x80;
	s20 =	simm.s32 $0x15C00;
	s21 =	simm.s32 $0x1  }
0x6: {  	s22 =	simm.s32 $0x19C00;
	s23 =	simm.s32 $0x2;
	[smem:$0x7FF] =	sst s2  }
0x7: {  	s7 =	smul.u32 $0x13C00, s0;
	s8 =	sand.u32 $0x1, s5;
	s5 =	sadd.s32 $0x1A00, s9  }
0x8: {  	s6 =	sadd.s32 $0x2EA00, s9;
	s12 =	smul.u32 $0x4F000, s0;
	s29 =	sshll.u32 s0, $0x6  }
0x9: {  	_ =	strace $0x8000004A;
	s10 =	smul.u32 $0x13C000, s8;
	s13 =	ssub.s32 $0x2, s8  }
0xa: {  	s11 =	sshrl.u32 s7, $0x3;
	s24 =	sshrl.u32 s13, $0x1;
	s25 =	sshrl.u32 s12, $0x2  }
0xb: {  	s11 =	sadd.s32 s11, s9;
	s10 =	sadd.s32 s7, s10;
	s7 =	smul.u32 $0x28000, s8  }
0xc: {  	s8 =	smul.u32 $0x2800, s0;
	s15 =	ssub.s32 s13, s24;
	s16 =	sadd.s32 s25, s3  }
0xd: {  	s24 =	simm.s32 $0x3;
	s25 =	simm.s32 $0x4;
	s10 =	sshrl.u32 s10, $0x3  }
.Ltmp0:
0xe: {  	s28 =	sadd.s32 $0x7200, s11;
	s14 =	sadd.s32 s10, s9;
	(pc) =	sbr.rel .LBB2_1-.Ltmp0, $4  }
0xf: {  	s26 =	sadd.s32 s8, s7;
	[dreg:$0x4] =	wrdreg s28;
	s31 =	sshrl.u32 s8, $0x3  }
0x10: {  	s10 =	sor.u32 $0x1C07, s29;
	s30 =	sshrl.u32 s26, $0x3;
	s12 =	sadd.s32 s5, s31  }
0x11: {  	s13 =	sadd.s32 $0x7CC00, s14;
	s14 =	smax.u32 s15, $0x1;
	s15 =	sshrl.u32 s16, $0x3  }
0x12: {  	s16 =	simm.s32 $0x7;
	s26 =	simm.s32 $0x0;
	s11 =	sadd.s32 s1, s30  }
.LBB2_4:
0x13: {  	_ =	swait.ge [sflag:s25], $0x4000  }
0x14: {  	s26 =	sadd.s32 $0x1, s26;
	[sflag:s25] =	ssyncset.done $0x0  }
0x15: {  	p0 =	sne.s32 s26, s14;
	[sflag:s25] =	ssyncadd.s32 $0xFFFFC000  }
.Ltmp1:
0x16: {  	[bflag:$0x0] =	sbarrier.arrive $0xFFFF;
	(pc) =	sbr.rel @!p0 .LBB2_5-.Ltmp1, $4  }
0x17: {  	[hbm:s13], [sflag:s10] =	dma.local [spmem:s15], $0x2780  }
0x18: {  	_ =	swait.ge [sflag:s16], $0x2780  }
0x19: {  	[sflag:s16] =	ssyncset.done $0x0  }
0x1a: {  	[sflag:s16] =	ssyncadd.s32 $0xFFFFD880  }
.LBB2_1:
0x1b: {  	s0 =	rddreg [dreg:$0x4]  }
0x1c: {  	[spmem:s15], [sflag:s10] =	dma.local [hbm:s0], $0x2780  }
0x1d: {  	_ =	swait.ge [sflag:s16], $0x2780  }
0x1e: {  	[sflag:s16] =	ssyncset.done $0x0  }
0x1f: {  	s31 =	simm.s32 $0x0;
	[sflag:s16] =	ssyncadd.s32 $0xFFFFD880  }
0x20: {  	[tilespmem:s17], [sflag:$0x7] =	stream.linear.gather [hbm4b:s11+s31], $0x800, $0x38;
	[tilespmem:$0x1DC00] =	vst v63  }
0x21: {  	_ =	swait.ge [sflag:s16], $0x800  }
0x22: {  	[sflag:s16] =	ssyncset.done $0x0  }
0x23: {  	s2 =	simm.s32 $0x14C00;
	[sflag:s16] =	ssyncadd.s32 $0xFFFFF800  }
0x24: {  	[tilespmem:s2], [sflag:$0x7] =	stream.linear.gather [hbm4b:s12+s31], $0x800, $0x38;
	[tilespmem:$0x1DC00] =	vst v63  }
0x25: {  	_ =	swait.ge [sflag:s16], $0x800  }
0x26: {  	[sflag:s16] =	ssyncset.done $0x0  }
0x27: {  	s28 =	simm.s32 $0x2;
	[sflag:s16] =	ssyncadd.s32 $0xFFFFF800  }
0x28: {  	s29 =	simm.s32 $0x0;
	s30 =	simm.s32 $0x0;
	[bflag:$0x0] =	sbarrier.arrive $0xFFFF  }
0x29: {  	[tilespmem:s20], [sflag:$0x1] =	stream.indirect.gather [hbm4b:s6+s19], $0x80, s17, s19, $0xb8;
	[tilespmem:$0x1DC00] =	vst v63  }
.LBB2_2:
0x2a: {  	s31 =	sshrl.u32 s30, $0x3  }
0x2b: {  	s0 =	sshll.u32 s31, $0xD  }
0x2c: {  	p0 =	sgt.u32 s30, $0x1F;
	s2 =	sor.u32 $0x400, s0  }
0x2d: {  	p1 =	sne.s32 @!p0 s2, s29  }
0x2e: {  	s2 =	sshll.u32 s31, $0xB;
	p0 =	por p1, p0  }
0x2f: {  	s2 =	sadd.s32 @!p0 $0x800, s2  }
0x30: {  	s31 =	sadd.s32 @!p0 s8, s2  }
0x31: {  	s18 =	sadd.s32 @!p0 s7, s31  }
0x32: {  	s2 =	sand.u32 @!p0 $0x800, s2;
	s18 =	sshrl.u32 @!p0 s18, $0x3  }
0x33: {  	s9 =	simm.s32 @!p0 $0x0;
	s4 =	sadd.s32 @!p0 $0x13C00, s2;
	s18 =	sadd.s32 @!p0 s1, s18  }
0x34: {  	[tilespmem:s4], [sflag:$0x5] =	stream.linear.gather @!p0 [hbm4b:s18+s9], $0x800, $0x38;
	[tilespmem:$0x1DC00] =	vst v63  }
0x35: {  	s4 =	sand.u32 $0x2000, s0;
	s18 =	sshrl.u32 @!p0 s31, $0x3  }
0x36: {  	s2 =	sadd.s32 @!p0 $0x14C00, s2;
	s0 =	ssub.s32 s4, s0;
	s4 =	sadd.s32 @!p0 s5, s18  }
0x37: {  	[tilespmem:s2], [sflag:$0x6] =	stream.linear.gather @!p0 [hbm4b:s4+s9], $0x800, $0x38;
	[tilespmem:$0x1DC00] =	vst v63  }
0x38: {  	s18 =	sshra.s32 s29, $0x2;
	s0 =	sshra.s32 s0, $0x2;
	_ =	swait.ge [sflag:s21], $0x4000  }
0x39: {  	p0 =	seq.s32 s29, $0x0;
	s9 =	sadd.s32 $0x14C00, s0;
	[sflag:s21] =	ssyncset.done $0x0  }
0x3a: {  	s2 =	sadd.s32 s18, s9;
	s9 =	simm.s32 @!p0 $0x4;
	[sflag:s21] =	ssyncadd.s32 $0xFFFFC000  }
0x3b: {  	[spmem:s3] =	stream.indirect.scatter.add.f32 [tilespmem:s20], [sflag:$0x3], $0x80, s2, s19, $0xb8;
	[tilespmem:$0x1DC00] =	vst v63  }
0x3c: {  	_ =	swait.ge @!p0 [sflag:s9], $0x4000  }
0x3d: {  	s0 =	sadd.s32 $0x13C80, s0;
	[sflag:s9] =	ssyncset.done @!p0 $0x0  }
0x3e: {  	s0 =	sadd.s32 s18, s0;
	[sflag:s9] =	ssyncadd.s32 @!p0 $0xFFFFC000  }
0x3f: {  	[tilespmem:s22], [sflag:$0x2] =	stream.indirect.gather [hbm4b:s6+s19], $0x80, s0, s19, $0xb8;
	[tilespmem:$0x1DC00] =	vst v63  }
0x40: {  	_ =	swait.ge [sflag:s23], $0x4000  }
0x41: {  	p0 =	seq.s32 s29, $0x9C00;
	[sflag:s23] =	ssyncset.done $0x0  }
.Ltmp2:
0x42: {  	s31 =	sadd.s32 $0x80, s2;
	[sflag:s23] =	ssyncadd.s32 $0xFFFFC000;
	(pc) =	sbr.rel @p0 .LBB2_4-.Ltmp2, $4  }
0x43: {  	[spmem:s3] =	stream.indirect.scatter.add.f32 [tilespmem:s22], [sflag:$0x4], $0x80, s31, s19, $0xb8;
	[tilespmem:$0x1DC00] =	vst v63  }
0x44: {  	_ =	swait.ge [sflag:s24], $0x4000  }
0x45: {  	[sflag:s24] =	ssyncset.done $0x0  }
0x46: {  	[sflag:s24] =	ssyncadd.s32 $0xFFFFC000  }
0x47: {  	s0 =	sand.u32 $0xE, s28  }
0x48: {  	s2 =	sshrl.u32 s28, $0x4;
	p0 =	sne.s32 s0, $0x0  }
0x49: {  	p1 =	seq.s32 @!p0 s2, $0x0  }
0x4a: {  	p0 =	por p1, p0  }
0x4b: {  	s0 =	simm.s32 @!p0 $0x5  }
0x4c: {  	s29 =	sadd.s32 $0x400, s29;
	_ =	swait.ge @!p0 [sflag:s0], $0x800  }
0x4d: {  	s4 =	sand.u32 $0x1C00, s29;
	s2 =	sshll.u32 s2, $0xB;
	[sflag:s0] =	ssyncset.done @!p0 $0x0  }
.Ltmp3:
0x4e: {  	[sflag:s0] =	ssyncadd.s32 @!p0 $0xFFFFF800;
	s0 =	simm.s32 @!p0 $0x6;
	(pc) =	sbr.rel .LBB2_2-.Ltmp3, $4  }
0x4f: {  	s4 =	sshrl.u32 s4, $0x2;
	s2 =	sand.u32 $0x800, s2;
	_ =	swait.ge @!p0 [sflag:s0], $0x800  }
0x50: {  	s30 =	sadd.s32 $0x1, s30;
	s2 =	sor.u32 s4, s2;
	[sflag:s0] =	ssyncset.done @!p0 $0x0  }
0x51: {  	s28 =	sadd.s32 $0x2, s28;
	s31 =	sadd.s32 $0x13C00, s2;
	[sflag:s0] =	ssyncadd.s32 @!p0 $0xFFFFF800  }
0x52: {  	[tilespmem:s20], [sflag:$0x1] =	stream.indirect.gather [hbm4b:s6+s19], $0x80, s31, s19, $0xb8;
	[tilespmem:$0x1DC00] =	vst v63  }
.LBB2_5:
0x53: {  	_ =	sfence.sel $0x180000  }
0x54: {  	[bflag:$0x0] =	sbarrier.arrive $0xFFFF  }
0x55: {  	_ =	strace $0x9000004A  }
0x56: {  	s0 =	stileid.u32;
	[bflag:$0x2] =	sbarrier.arrive $0xFFFF  }
0x57: {  	p0 =	sne.s32 s0, $0x0;
	s0 =	rddreg [dreg:$0x3]  }
0x58: {  	s0 =	sadd.s32 @!p0 $0x100000, s0  }
0x59: {  	[sflag:s0] =	ssyncadd.tile.s32 @!p0 $0x1;
	_ =	shalt  }
.Lfunc_end2:
_tile_overlayer_lowered:
.L_overlay_start_2:
0x5a: {  	(tag) =	ssettag $0x2  }
0x5b: {  	s0 =	rddreg [dreg:$0x0];
	s2 =	stileid.u32  }
0x5c: {  	s1 =	rddreg [dreg:$0x1];
	p0 =	sne.s32 s2, $0x0  }
0x5d: {  	s3 =	rddreg [dreg:$0x2];
	[bflag:$0x3] =	sbarrier.arrive $0xFFFF;
	s2 =	simm.s32 @!p0 $0x1C07  }
0x5e: {  	[timem:s3], [sflag:s2] =	dma.local @!p0 [hbm:s0], s1  }
0x5f: {  	s0 =	simm.s32 @!p0 $0x7  }
0x60: {  	_ =	swait.ge @!p0 [sflag:s0], s1  }
0x61: {  	s1 =	ssub.s32 @!p0 $0x0, s1;
	[sflag:s0] =	ssyncset.done @!p0 $0x0  }
0x62: {  	[sflag:s0] =	ssyncadd.s32 @!p0 s1  }
0x63: {  	[bflag:$0x3] =	sbarrier.arrive $0xFFFF  }
0x64: {  	_ =	shalt  }

</sc_bundles>
